<compile_context>
chip_gen: v7x
topology: tpu7x:2x2x1
jax: 0.10.2.dev20260603
libtpu: 0.0.44.dev20260713+nightly
codegen_flags: <defaults>
</compile_context>

<pallas_src>
import math

import jax
import jax.numpy as jnp
from jax import lax
from jax.experimental import pallas as pl
from jax.experimental.pallas import tpu as pltpu
from jax.experimental.pallas import tpu_sc as plsc

D = 64
SCALE = math.sqrt(D)
NC = 2
NS = 16
NW = NC * NS
H = 100
NBUF = 4
LANES = 16


def _emb_body(x_hbm, table_hbm, out_hbm, idx_v, rows_v, pk_v, *sems):
    sem_g0 = sems[:NBUF]
    sem_g1 = sems[NBUF:2 * NBUF]
    sem_s = sems[2 * NBUF:]
    seq = out_hbm.shape[1]
    rows_per_w = out_hbm.shape[0] // NW
    n_chunks = 2 * rows_per_w
    wid = lax.axis_index("s") * NC + lax.axis_index("c")
    base = wid * rows_per_w

    def gather_start(g, b):
        pltpu.make_async_copy(
            table_hbm.at[idx_v.at[g]], rows_v.at[b], sem_g0[b]).start()

    def gather_wait(g, b):
        pltpu.make_async_copy(
            table_hbm.at[idx_v.at[g]], rows_v.at[b], sem_g0[b]).wait()

    def scatter(g, b, sem):
        return pltpu.make_async_copy(
            pk_v.at[b],
            out_hbm.at[base + g // 2, pl.ds((g % 2) * H, H)], sem)

    pltpu.sync_copy(x_hbm.at[pl.ds(wid * 2 * rows_per_w, 2 * rows_per_w)],
                    idx_v)

    for b in range(NBUF):
        gather_start(b, b)

    @pl.loop(0, n_chunks // NBUF)
    def _outer(t):
        g0 = t * NBUF
        for bb in range(NBUF):
            g = g0 + bb
            pb = (bb - 1) % NBUF
            p = g - 1
            nxt = p + NBUF

            @pl.when(jnp.logical_and(p >= 0, nxt < n_chunks))
            def _recycle(pb=pb, p=p, nxt=nxt):
                scatter(p, pb, sem_s[pb]).wait()
                gather_start(nxt, pb)

            gather_wait(g, bb)

            @pl.loop(0, H)
            def _row(r, bb=bb):
                for j in range(D // LANES):
                    sl = pl.ds(j * LANES, LANES)
                    pk_v[bb, r, sl] = rows_v[bb, r, sl] * SCALE

            scatter(g, bb, sem_s[bb]).start()

    for b in range(NBUF):
        scatter(n_chunks - NBUF + b, b, sem_s[b]).wait()


def kernel(x, table):
    batch, seq = x.shape
    x2 = x.astype(jnp.int32).reshape(batch * seq // H, H)
    rows_per_w = batch // NW
    tp = jnp.pad(table, ((0, 0), (0, 128 - D)))

    mesh = plsc.VectorSubcoreMesh(
        core_axis_name="c", subcore_axis_name="s", num_cores=NC,
        num_subcores=NS)
    out = pl.kernel(
        _emb_body,
        out_type=jax.ShapeDtypeStruct((batch, seq, D), jnp.float32),
        mesh=mesh,
        scratch_types=[
            pltpu.VMEM((2 * rows_per_w, H), jnp.int32),
            pltpu.VMEM((NBUF, H, 2 * D), jnp.float32),
            pltpu.VMEM((NBUF, H, D), jnp.float32),
            *([pltpu.SemaphoreType.DMA] * (3 * NBUF)),
        ],
        compiler_params=pltpu.CompilerParams(use_tc_tiling_on_sc=False),
    )(x2, tp)
    return out

# --- scband reference (transcript-rebuilt; emitter-appended) ---
"""Pipeline reference for scband-embedding-6949257085027 (READ-ONLY COPY).

The authoritative reference and input builder live on the scoring server;
editing this copy changes nothing except your own understanding.
"""

import jax, jax.numpy as jnp
import numpy as np
import math

D_MODEL = 64
NUM_EMBEDDINGS = 1000000
BATCH = 4096
SEQ = 200

def setup_inputs(seed: int = 0) -> dict:
    key = jax.random.key(seed)
    k_idx, k_tab = jax.random.split(key)
    x = jax.random.randint(k_idx, (BATCH, SEQ), 0, NUM_EMBEDDINGS, dtype=jnp.int64 if jax.config.jax_enable_x64 else jnp.int32)
    table = jax.random.normal(k_tab, (NUM_EMBEDDINGS, D_MODEL), dtype=jnp.float32)
    return {"x": x, "table": table}

def reference(x, table):
    scaling_factor = math.sqrt(D_MODEL)
    # embedding lookup (gather) then scale, faithful to torch nn.Embedding + scaling
    emb = jnp.take(table, x, axis=0)
    return scaling_factor * emb

if __name__ == "__main__":
    import jax
    _d = setup_inputs()
    print(jax.jit(kernel)(*tuple(_d.values())))

</pallas_src>

<mosaic_0001>
#map = affine_map<(d0, d1) -> (0, 0)>
#map1 = affine_map<(d0, d1) -> (0, 0, 0)>
module attributes {stable_mosaic.version = 14 : i64} {
  func.func @_emb_body(%arg0: i32, %arg1: i32, %arg2: memref<8192x100xi32, #tpu.memory_space<hbm>>, %arg3: memref<1000000x128xf32, #tpu.memory_space<hbm>>, %arg4: memref<4096x200x64xf32, #tpu.memory_space<hbm>>, %arg5: memref<256x100xi32, #tpu.memory_space<vmem>>, %arg6: memref<4x100x128xf32, #tpu.memory_space<vmem>>, %arg7: memref<4x100x64xf32, #tpu.memory_space<vmem>>, %arg8: memref<!tpu.dma_semaphore, #tpu.memory_space<semaphore_mem>>, %arg9: memref<!tpu.dma_semaphore, #tpu.memory_space<semaphore_mem>>, %arg10: memref<!tpu.dma_semaphore, #tpu.memory_space<semaphore_mem>>, %arg11: memref<!tpu.dma_semaphore, #tpu.memory_space<semaphore_mem>>, %arg12: memref<!tpu.dma_semaphore, #tpu.memory_space<semaphore_mem>>, %arg13: memref<!tpu.dma_semaphore, #tpu.memory_space<semaphore_mem>>, %arg14: memref<!tpu.dma_semaphore, #tpu.memory_space<semaphore_mem>>, %arg15: memref<!tpu.dma_semaphore, #tpu.memory_space<semaphore_mem>>, %arg16: memref<!tpu.dma_semaphore, #tpu.memory_space<semaphore_mem>>, %arg17: memref<!tpu.dma_semaphore, #tpu.memory_space<semaphore_mem>>, %arg18: memref<!tpu.dma_semaphore, #tpu.memory_space<semaphore_mem>>, %arg19: memref<!tpu.dma_semaphore, #tpu.memory_space<semaphore_mem>>) attributes {dimension_semantics = [#tpu.dimension_semantics<core_parallel>, #tpu.dimension_semantics<subcore_parallel>], iteration_bounds = array<i64: 2, 16>, scalar_prefetch = 0 : i64, scratch_operands = 15 : i64, tpu.core_type = #tpu.core_type<sc_vector_subcore>, window_params = [{transform_indices = #map}, {transform_indices = #map}, {transform_indices = #map1}]} {
    %mul3A = arith.constant 2 : i32
    %mul3A_0 = arith.muli %arg1, %mul3A : i32
    %add3A = arith.addi %mul3A_0, %arg0 : i32
    %mul3A_1 = arith.constant 128 : i32
    %mul3A_2 = arith.muli %add3A, %mul3A_1 : i32
    %mul3A_3 = arith.constant 2 : i32
    %mul3A_4 = arith.muli %add3A, %mul3A_3 : i32
    %mul3A_5 = arith.constant 128 : i32
    %mul3A_6 = arith.muli %mul3A_4, %mul3A_5 : i32
    "tpu.region"() ({
      %run_scoped3A = tpu.sem_alloc : memref<!tpu.dma_semaphore, #tpu.memory_space<semaphore_mem>>
      %dma_start3A_133 = arith.constant 0 : i32
      %dma_start3A_134 = tpu.memref_slice %arg2[%mul3A_6, %dma_start3A_133] : memref<8192x100xi32, #tpu.memory_space<hbm>> -> memref<256x100xi32, #tpu.memory_space<hbm>>
      %dma_start3A_135 = arith.constant 0 : i32
      %dma_start3A_136 = tpu.memref_slice %arg2[%mul3A_6, %dma_start3A_135] : memref<8192x100xi32, #tpu.memory_space<hbm>> -> memref<256x100xi32, #tpu.memory_space<hbm>>
      tpu.enqueue_dma source(%dma_start3A_136 : memref<256x100xi32, #tpu.memory_space<hbm>>) target(%arg5 : memref<256x100xi32, #tpu.memory_space<vmem>>) target_semaphore(%run_scoped3A : memref<!tpu.dma_semaphore, #tpu.memory_space<semaphore_mem>>)
      %dma_wait3A_137 = arith.constant 0 : i32
      %dma_wait3A_138 = tpu.memref_slice %arg2[%mul3A_6, %dma_wait3A_137] : memref<8192x100xi32, #tpu.memory_space<hbm>> -> memref<256x100xi32, #tpu.memory_space<hbm>>
      %dma_wait3A_139 = arith.constant 0 : i32
      %dma_wait3A_140 = tpu.memref_slice %arg2[%mul3A_6, %dma_wait3A_139] : memref<8192x100xi32, #tpu.memory_space<hbm>> -> memref<256x100xi32, #tpu.memory_space<hbm>>
      tpu.wait_dma2 semaphore(%run_scoped3A : memref<!tpu.dma_semaphore, #tpu.memory_space<semaphore_mem>>) src(%dma_wait3A_140 : memref<256x100xi32, #tpu.memory_space<hbm>>) dst(%arg5 : memref<256x100xi32, #tpu.memory_space<vmem>>)
      tpu.yield
    }) : () -> ()
    %dma_start3A = arith.constant 0 : i32
    %dma_start3A_7 = arith.constant 0 : i32
    %dma_start3A_8 = arith.constant 0 : i32
    %dma_start3A_9 = arith.constant 0 : i32
    %dma_start3A_10 = tpu.memref_slice %arg6[%dma_start3A_7, %dma_start3A_8, %dma_start3A_9] : memref<4x100x128xf32, #tpu.memory_space<vmem>> -> memref<1x100x128xf32, #tpu.memory_space<vmem>>
    %dma_start3A_11 = tpu.memref_squeeze %dma_start3A_10 : memref<1x100x128xf32, #tpu.memory_space<vmem>> -> memref<100x128xf32, #tpu.memory_space<vmem>>
    %dma_start3A_12 = arith.constant 0 : i32
    %dma_start3A_13 = tpu.memref_slice %arg5[%dma_start3A, %dma_start3A_12] : memref<256x100xi32, #tpu.memory_space<vmem>> -> memref<1x100xi32, #tpu.memory_space<vmem>>
    %dma_start3A_14 = tpu.memref_squeeze %dma_start3A_13 : memref<1x100xi32, #tpu.memory_space<vmem>> -> memref<100xi32, #tpu.memory_space<vmem>>
    %dma_start3A_15 = arith.constant 0 : i32
    %dma_start3A_16 = arith.constant 0 : i32
    %dma_start3A_17 = tpu.memref_slice %arg3[%dma_start3A_15, %dma_start3A_16] : memref<1000000x128xf32, #tpu.memory_space<hbm>> -> memref<1000000x128xf32, #tpu.memory_space<hbm>>
    tpu.enqueue_indirect_dma source(%dma_start3A_17 : memref<1000000x128xf32, #tpu.memory_space<hbm>>) target(%dma_start3A_11 : memref<100x128xf32, #tpu.memory_space<vmem>>) offsets(%dma_start3A_14 : memref<100xi32, #tpu.memory_space<vmem>>) semaphore(%arg8 : memref<!tpu.dma_semaphore, #tpu.memory_space<semaphore_mem>>)
    %dma_start3A_18 = arith.constant 1 : i32
    %dma_start3A_19 = arith.constant 1 : i32
    %dma_start3A_20 = arith.constant 0 : i32
    %dma_start3A_21 = arith.constant 0 : i32
    %dma_start3A_22 = tpu.memref_slice %arg6[%dma_start3A_19, %dma_start3A_20, %dma_start3A_21] : memref<4x100x128xf32, #tpu.memory_space<vmem>> -> memref<1x100x128xf32, #tpu.memory_space<vmem>>
    %dma_start3A_23 = tpu.memref_squeeze %dma_start3A_22 : memref<1x100x128xf32, #tpu.memory_space<vmem>> -> memref<100x128xf32, #tpu.memory_space<vmem>>
    %dma_start3A_24 = arith.constant 0 : i32
    %dma_start3A_25 = tpu.memref_slice %arg5[%dma_start3A_18, %dma_start3A_24] : memref<256x100xi32, #tpu.memory_space<vmem>> -> memref<1x100xi32, #tpu.memory_space<vmem>>
    %dma_start3A_26 = tpu.memref_squeeze %dma_start3A_25 : memref<1x100xi32, #tpu.memory_space<vmem>> -> memref<100xi32, #tpu.memory_space<vmem>>
    %dma_start3A_27 = arith.constant 0 : i32
    %dma_start3A_28 = arith.constant 0 : i32
    %dma_start3A_29 = tpu.memref_slice %arg3[%dma_start3A_27, %dma_start3A_28] : memref<1000000x128xf32, #tpu.memory_space<hbm>> -> memref<1000000x128xf32, #tpu.memory_space<hbm>>
    tpu.enqueue_indirect_dma source(%dma_start3A_29 : memref<1000000x128xf32, #tpu.memory_space<hbm>>) target(%dma_start3A_23 : memref<100x128xf32, #tpu.memory_space<vmem>>) offsets(%dma_start3A_26 : memref<100xi32, #tpu.memory_space<vmem>>) semaphore(%arg9 : memref<!tpu.dma_semaphore, #tpu.memory_space<semaphore_mem>>)
    %dma_start3A_30 = arith.constant 2 : i32
    %dma_start3A_31 = arith.constant 2 : i32
    %dma_start3A_32 = arith.constant 0 : i32
    %dma_start3A_33 = arith.constant 0 : i32
    %dma_start3A_34 = tpu.memref_slice %arg6[%dma_start3A_31, %dma_start3A_32, %dma_start3A_33] : memref<4x100x128xf32, #tpu.memory_space<vmem>> -> memref<1x100x128xf32, #tpu.memory_space<vmem>>
    %dma_start3A_35 = tpu.memref_squeeze %dma_start3A_34 : memref<1x100x128xf32, #tpu.memory_space<vmem>> -> memref<100x128xf32, #tpu.memory_space<vmem>>
    %dma_start3A_36 = arith.constant 0 : i32
    %dma_start3A_37 = tpu.memref_slice %arg5[%dma_start3A_30, %dma_start3A_36] : memref<256x100xi32, #tpu.memory_space<vmem>> -> memref<1x100xi32, #tpu.memory_space<vmem>>
    %dma_start3A_38 = tpu.memref_squeeze %dma_start3A_37 : memref<1x100xi32, #tpu.memory_space<vmem>> -> memref<100xi32, #tpu.memory_space<vmem>>
    %dma_start3A_39 = arith.constant 0 : i32
    %dma_start3A_40 = arith.constant 0 : i32
    %dma_start3A_41 = tpu.memref_slice %arg3[%dma_start3A_39, %dma_start3A_40] : memref<1000000x128xf32, #tpu.memory_space<hbm>> -> memref<1000000x128xf32, #tpu.memory_space<hbm>>
    tpu.enqueue_indirect_dma source(%dma_start3A_41 : memref<1000000x128xf32, #tpu.memory_space<hbm>>) target(%dma_start3A_35 : memref<100x128xf32, #tpu.memory_space<vmem>>) offsets(%dma_start3A_38 : memref<100xi32, #tpu.memory_space<vmem>>) semaphore(%arg10 : memref<!tpu.dma_semaphore, #tpu.memory_space<semaphore_mem>>)
    %dma_start3A_42 = arith.constant 3 : i32
    %dma_start3A_43 = arith.constant 3 : i32
    %dma_start3A_44 = arith.constant 0 : i32
    %dma_start3A_45 = arith.constant 0 : i32
    %dma_start3A_46 = tpu.memref_slice %arg6[%dma_start3A_43, %dma_start3A_44, %dma_start3A_45] : memref<4x100x128xf32, #tpu.memory_space<vmem>> -> memref<1x100x128xf32, #tpu.memory_space<vmem>>
    %dma_start3A_47 = tpu.memref_squeeze %dma_start3A_46 : memref<1x100x128xf32, #tpu.memory_space<vmem>> -> memref<100x128xf32, #tpu.memory_space<vmem>>
    %dma_start3A_48 = arith.constant 0 : i32
    %dma_start3A_49 = tpu.memref_slice %arg5[%dma_start3A_42, %dma_start3A_48] : memref<256x100xi32, #tpu.memory_space<vmem>> -> memref<1x100xi32, #tpu.memory_space<vmem>>
    %dma_start3A_50 = tpu.memref_squeeze %dma_start3A_49 : memref<1x100xi32, #tpu.memory_space<vmem>> -> memref<100xi32, #tpu.memory_space<vmem>>
    %dma_start3A_51 = arith.constant 0 : i32
    %dma_start3A_52 = arith.constant 0 : i32
    %dma_start3A_53 = tpu.memref_slice %arg3[%dma_start3A_51, %dma_start3A_52] : memref<1000000x128xf32, #tpu.memory_space<hbm>> -> memref<1000000x128xf32, #tpu.memory_space<hbm>>
    tpu.enqueue_indirect_dma source(%dma_start3A_53 : memref<1000000x128xf32, #tpu.memory_space<hbm>>) target(%dma_start3A_47 : memref<100x128xf32, #tpu.memory_space<vmem>>) offsets(%dma_start3A_50 : memref<100xi32, #tpu.memory_space<vmem>>) semaphore(%arg11 : memref<!tpu.dma_semaphore, #tpu.memory_space<semaphore_mem>>)
    %scan3A = arith.constant 0 : i32
    %scan3A_54 = arith.constant 64 : i32
    %scan3A_55 = arith.addi %scan3A, %scan3A_54 : i32
    %scan3A_56 = arith.constant 1 : i32
    scf.for %scan3A_133 = %scan3A to %scan3A_55 step %scan3A_56  : i32 {
      %mul3A_134 = arith.constant 1 : i32
      %mul3A_135 = arith.muli %scan3A_133, %mul3A_134 : i32
      %add3A_136 = arith.constant 0 : i32
      %add3A_137 = arith.addi %add3A_136, %mul3A_135 : i32
      %mul3A_138 = arith.constant 4 : i32
      %mul3A_139 = arith.muli %add3A_137, %mul3A_138 : i32
      %add3A_140 = arith.constant 0 : i32
      %add3A_141 = arith.addi %mul3A_139, %add3A_140 : i32
      %sub3A = arith.constant 1 : i32
      %sub3A_142 = arith.subi %add3A_141, %sub3A : i32
      %add3A_143 = arith.constant 4 : i32
      %add3A_144 = arith.addi %sub3A_142, %add3A_143 : i32
      %ge3A = arith.constant 0 : i32
      %ge3A_145 = arith.cmpi sge, %sub3A_142, %ge3A : i32
      %lt3A = arith.constant 256 : i32
      %lt3A_146 = arith.cmpi slt, %add3A_144, %lt3A : i32
      %and3A = arith.andi %ge3A_145, %lt3A_146 : i1
      %convert_element_type3A = arith.extui %and3A : i1 to i32
      %cond3A = arith.constant 0 : i32
      %cond3A_147 = arith.cmpi ne, %convert_element_type3A, %cond3A : i32
      scf.if %cond3A_147 {
        %jit3A_479 = arith.constant 2 : i32
        %div3A_480 = arith.divsi %sub3A_142, %jit3A_479 : i32
        %sign3A_481 = arith.constant 0 : i32
        %sign3A_482 = arith.cmpi sgt, %sub3A_142, %sign3A_481 : i32
        %sign3A_483 = arith.extui %sign3A_482 : i1 to i32
        %sign3A_484 = arith.constant 0 : i32
        %sign3A_485 = arith.cmpi slt, %sub3A_142, %sign3A_484 : i32
        %sign3A_486 = arith.extui %sign3A_485 : i1 to i32
        %sign3A_487 = arith.subi %sign3A_483, %sign3A_486 : i32
        %sign3A_488 = arith.constant 0 : i32
        %sign3A_489 = arith.cmpi sgt, %jit3A_479, %sign3A_488 : i32
        %sign3A_490 = arith.extui %sign3A_489 : i1 to i32
        %sign3A_491 = arith.constant 0 : i32
        %sign3A_492 = arith.cmpi slt, %jit3A_479, %sign3A_491 : i32
        %sign3A_493 = arith.extui %sign3A_492 : i1 to i32
        %sign3A_494 = arith.subi %sign3A_490, %sign3A_493 : i32
        %ne3A_495 = arith.cmpi ne, %sign3A_487, %sign3A_494 : i32
        %rem3A_496 = arith.remsi %sub3A_142, %jit3A_479 : i32
        %ne3A_497 = arith.constant 0 : i32
        %ne3A_498 = arith.cmpi ne, %rem3A_496, %ne3A_497 : i32
        %and3A_499 = arith.andi %ne3A_495, %ne3A_498 : i1
        %sub3A_500 = arith.constant 1 : i32
        %sub3A_501 = arith.subi %div3A_480, %sub3A_500 : i32
        %select_n3A_502 = arith.select %and3A_499, %sub3A_501, %div3A_480 : i32
        %add3A_503 = arith.addi %mul3A_2, %select_n3A_502 : i32
        %jit3A_504 = arith.constant 2 : i32
        %eq3A_505 = arith.constant 0 : i32
        %eq3A_506 = arith.cmpi eq, %jit3A_504, %eq3A_505 : i32
        %jit3A_507 = arith.constant 1 : i32
        %select_n3A_508 = arith.select %eq3A_506, %jit3A_507, %jit3A_504 : i32
        %rem3A_509 = arith.remsi %sub3A_142, %select_n3A_508 : i32
        %ne3A_510 = arith.constant 0 : i32
        %ne3A_511 = arith.cmpi ne, %rem3A_509, %ne3A_510 : i32
        %lt3A_512 = arith.constant 0 : i32
        %lt3A_513 = arith.cmpi slt, %rem3A_509, %lt3A_512 : i32
        %lt3A_514 = arith.constant 0 : i32
        %lt3A_515 = arith.cmpi slt, %select_n3A_508, %lt3A_514 : i32
        %ne3A_516 = arith.xori %lt3A_513, %lt3A_515 : i1
        %and3A_517 = arith.andi %ne3A_516, %ne3A_511 : i1
        %add3A_518 = arith.addi %rem3A_509, %select_n3A_508 : i32
        %select_n3A_519 = arith.select %and3A_517, %add3A_518, %rem3A_509 : i32
        %mul3A_520 = arith.constant 100 : i32
        %mul3A_521 = arith.muli %select_n3A_519, %mul3A_520 : i32
        %dma_wait3A_522 = arith.constant 3 : i32
        %dma_wait3A_523 = arith.constant 0 : i32
        %dma_wait3A_524 = arith.constant 0 : i32
        %dma_wait3A_525 = tpu.memref_slice %arg7[%dma_wait3A_522, %dma_wait3A_523, %dma_wait3A_524] : memref<4x100x64xf32, #tpu.memory_space<vmem>> -> memref<1x100x64xf32, #tpu.memory_space<vmem>>
        %dma_wait3A_526 = tpu.memref_squeeze %dma_wait3A_525 : memref<1x100x64xf32, #tpu.memory_space<vmem>> -> memref<100x64xf32, #tpu.memory_space<vmem>>
        %dma_wait3A_527 = arith.constant 0 : i32
        %dma_wait3A_528 = tpu.memref_slice %arg4[%add3A_503, %mul3A_521, %dma_wait3A_527] : memref<4096x200x64xf32, #tpu.memory_space<hbm>> -> memref<1x100x64xf32, #tpu.memory_space<hbm>>
        %dma_wait3A_529 = tpu.memref_squeeze %dma_wait3A_528 : memref<1x100x64xf32, #tpu.memory_space<hbm>> -> memref<100x64xf32, #tpu.memory_space<hbm>>
        %dma_wait3A_530 = arith.constant 0 : i32
        %dma_wait3A_531 = tpu.memref_slice %arg4[%add3A_503, %mul3A_521, %dma_wait3A_530] : memref<4096x200x64xf32, #tpu.memory_space<hbm>> -> memref<1x100x64xf32, #tpu.memory_space<hbm>>
        %dma_wait3A_532 = tpu.memref_squeeze %dma_wait3A_531 : memref<1x100x64xf32, #tpu.memory_space<hbm>> -> memref<100x64xf32, #tpu.memory_space<hbm>>
        %dma_wait3A_533 = arith.constant 0 : i32
        %dma_wait3A_534 = arith.constant 0 : i32
        %dma_wait3A_535 = tpu.memref_slice %arg7[%dma_wait3A_522, %dma_wait3A_533, %dma_wait3A_534] : memref<4x100x64xf32, #tpu.memory_space<vmem>> -> memref<1x100x64xf32, #tpu.memory_space<vmem>>
        %dma_wait3A_536 = tpu.memref_squeeze %dma_wait3A_535 : memref<1x100x64xf32, #tpu.memory_space<vmem>> -> memref<100x64xf32, #tpu.memory_space<vmem>>
        tpu.wait_dma2 semaphore(%arg19 : memref<!tpu.dma_semaphore, #tpu.memory_space<semaphore_mem>>) src(%dma_wait3A_536 : memref<100x64xf32, #tpu.memory_space<vmem>>) dst(%dma_wait3A_532 : memref<100x64xf32, #tpu.memory_space<hbm>>)
        %dma_start3A_537 = arith.constant 3 : i32
        %dma_start3A_538 = arith.constant 0 : i32
        %dma_start3A_539 = arith.constant 0 : i32
        %dma_start3A_540 = tpu.memref_slice %arg6[%dma_start3A_537, %dma_start3A_538, %dma_start3A_539] : memref<4x100x128xf32, #tpu.memory_space<vmem>> -> memref<1x100x128xf32, #tpu.memory_space<vmem>>
        %dma_start3A_541 = tpu.memref_squeeze %dma_start3A_540 : memref<1x100x128xf32, #tpu.memory_space<vmem>> -> memref<100x128xf32, #tpu.memory_space<vmem>>
        %dma_start3A_542 = arith.constant 0 : i32
        %dma_start3A_543 = tpu.memref_slice %arg5[%add3A_144, %dma_start3A_542] : memref<256x100xi32, #tpu.memory_space<vmem>> -> memref<1x100xi32, #tpu.memory_space<vmem>>
        %dma_start3A_544 = tpu.memref_squeeze %dma_start3A_543 : memref<1x100xi32, #tpu.memory_space<vmem>> -> memref<100xi32, #tpu.memory_space<vmem>>
        %dma_start3A_545 = arith.constant 0 : i32
        %dma_start3A_546 = arith.constant 0 : i32
        %dma_start3A_547 = tpu.memref_slice %arg3[%dma_start3A_545, %dma_start3A_546] : memref<1000000x128xf32, #tpu.memory_space<hbm>> -> memref<1000000x128xf32, #tpu.memory_space<hbm>>
        tpu.enqueue_indirect_dma source(%dma_start3A_547 : memref<1000000x128xf32, #tpu.memory_space<hbm>>) target(%dma_start3A_541 : memref<100x128xf32, #tpu.memory_space<vmem>>) offsets(%dma_start3A_544 : memref<100xi32, #tpu.memory_space<vmem>>) semaphore(%arg11 : memref<!tpu.dma_semaphore, #tpu.memory_space<semaphore_mem>>)
      } else {
      }
      %dma_wait3A_148 = arith.constant 0 : i32
      %dma_wait3A_149 = arith.constant 0 : i32
      %dma_wait3A_150 = arith.constant 0 : i32
      %dma_wait3A_151 = tpu.memref_slice %arg6[%dma_wait3A_148, %dma_wait3A_149, %dma_wait3A_150] : memref<4x100x128xf32, #tpu.memory_space<vmem>> -> memref<1x100x128xf32, #tpu.memory_space<vmem>>
      %dma_wait3A_152 = tpu.memref_squeeze %dma_wait3A_151 : memref<1x100x128xf32, #tpu.memory_space<vmem>> -> memref<100x128xf32, #tpu.memory_space<vmem>>
      %dma_wait3A_153 = arith.constant 0 : i32
      %dma_wait3A_154 = tpu.memref_slice %arg5[%add3A_141, %dma_wait3A_153] : memref<256x100xi32, #tpu.memory_space<vmem>> -> memref<1x100xi32, #tpu.memory_space<vmem>>
      %dma_wait3A_155 = tpu.memref_squeeze %dma_wait3A_154 : memref<1x100xi32, #tpu.memory_space<vmem>> -> memref<100xi32, #tpu.memory_space<vmem>>
      %dma_wait3A_156 = arith.constant 0 : i32
      %dma_wait3A_157 = arith.constant 0 : i32
      %dma_wait3A_158 = tpu.memref_slice %arg3[%dma_wait3A_156, %dma_wait3A_157] : memref<1000000x128xf32, #tpu.memory_space<hbm>> -> memref<1000000x128xf32, #tpu.memory_space<hbm>>
      tpu.wait_indirect_dma semaphore(%arg8 : memref<!tpu.dma_semaphore, #tpu.memory_space<semaphore_mem>>) src(%dma_wait3A_158 : memref<1000000x128xf32, #tpu.memory_space<hbm>>) dst(%dma_wait3A_152 : memref<100x128xf32, #tpu.memory_space<vmem>>)
      %scan3A_159 = arith.constant 0 : i32
      %scan3A_160 = arith.constant 100 : i32
      %scan3A_161 = arith.addi %scan3A_159, %scan3A_160 : i32
      %scan3A_162 = arith.constant 1 : i32
      scf.for %scan3A_479 = %scan3A_159 to %scan3A_161 step %scan3A_162  : i32 {
        %mul3A_480 = arith.constant 1 : i32
        %mul3A_481 = arith.muli %scan3A_479, %mul3A_480 : i32
        %add3A_482 = arith.constant 0 : i32
        %add3A_483 = arith.addi %add3A_482, %mul3A_481 : i32
        %get3A = arith.constant 0 : i32
        %get3A_484 = arith.index_cast %get3A : i32 to index
        %get3A_485 = arith.index_cast %add3A_483 : i32 to index
        %get3A_486 = arith.constant 0 : index
        %get3A_487 = tpu.vector_load %arg6[%get3A_484, %get3A_485, %get3A_486] {strides = array<i32>} : memref<4x100x128xf32, #tpu.memory_space<vmem>>, vector<1x1x16xf32>,
        %get3A_488 = vector.shape_cast %get3A_487 : vector<1x1x16xf32> to vector<16xf32>
        %mul3A_489 = arith.constant 8.000000e+00 : f32
        %mul3A_490 = vector.broadcast %mul3A_489 : f32 to vector<16xf32>
        %mul3A_491 = arith.mulf %get3A_488, %mul3A_490 : vector<16xf32>
        %swap3A = arith.constant 0 : i32
        %swap3A_492 = arith.index_cast %swap3A : i32 to index
        %swap3A_493 = arith.index_cast %add3A_483 : i32 to index
        %swap3A_494 = arith.constant 0 : index
        %swap3A_495 = tpu.vector_load %arg7[%swap3A_492, %swap3A_493, %swap3A_494] {strides = array<i32>} : memref<4x100x64xf32, #tpu.memory_space<vmem>>, vector<1x1x16xf32>,
        %swap3A_496 = vector.shape_cast %swap3A_495 : vector<1x1x16xf32> to vector<16xf32>
        %swap3A_497 = vector.shape_cast %mul3A_491 : vector<16xf32> to vector<1x1x16xf32>
        tpu.vector_store %arg7[%swap3A_492, %swap3A_493, %swap3A_494], %swap3A_497 {strides = array<i32>} : memref<4x100x64xf32, #tpu.memory_space<vmem>>, vector<1x1x16xf32>,
        %get3A_498 = arith.constant 0 : i32
        %get3A_499 = arith.index_cast %get3A_498 : i32 to index
        %get3A_500 = arith.index_cast %add3A_483 : i32 to index
        %get3A_501 = arith.constant 16 : index
        %get3A_502 = tpu.vector_load %arg6[%get3A_499, %get3A_500, %get3A_501] {strides = array<i32>} : memref<4x100x128xf32, #tpu.memory_space<vmem>>, vector<1x1x16xf32>,
        %get3A_503 = vector.shape_cast %get3A_502 : vector<1x1x16xf32> to vector<16xf32>
        %mul3A_504 = arith.constant 8.000000e+00 : f32
        %mul3A_505 = vector.broadcast %mul3A_504 : f32 to vector<16xf32>
        %mul3A_506 = arith.mulf %get3A_503, %mul3A_505 : vector<16xf32>
        %swap3A_507 = arith.constant 0 : i32
        %swap3A_508 = arith.index_cast %swap3A_507 : i32 to index
        %swap3A_509 = arith.index_cast %add3A_483 : i32 to index
        %swap3A_510 = arith.constant 16 : index
        %swap3A_511 = tpu.vector_load %arg7[%swap3A_508, %swap3A_509, %swap3A_510] {strides = array<i32>} : memref<4x100x64xf32, #tpu.memory_space<vmem>>, vector<1x1x16xf32>,
        %swap3A_512 = vector.shape_cast %swap3A_511 : vector<1x1x16xf32> to vector<16xf32>
        %swap3A_513 = vector.shape_cast %mul3A_506 : vector<16xf32> to vector<1x1x16xf32>
        tpu.vector_store %arg7[%swap3A_508, %swap3A_509, %swap3A_510], %swap3A_513 {strides = array<i32>} : memref<4x100x64xf32, #tpu.memory_space<vmem>>, vector<1x1x16xf32>,
        %get3A_514 = arith.constant 0 : i32
        %get3A_515 = arith.index_cast %get3A_514 : i32 to index
        %get3A_516 = arith.index_cast %add3A_483 : i32 to index
        %get3A_517 = arith.constant 32 : index
        %get3A_518 = tpu.vector_load %arg6[%get3A_515, %get3A_516, %get3A_517] {strides = array<i32>} : memref<4x100x128xf32, #tpu.memory_space<vmem>>, vector<1x1x16xf32>,
        %get3A_519 = vector.shape_cast %get3A_518 : vector<1x1x16xf32> to vector<16xf32>
        %mul3A_520 = arith.constant 8.000000e+00 : f32
        %mul3A_521 = vector.broadcast %mul3A_520 : f32 to vector<16xf32>
        %mul3A_522 = arith.mulf %get3A_519, %mul3A_521 : vector<16xf32>
        %swap3A_523 = arith.constant 0 : i32
        %swap3A_524 = arith.index_cast %swap3A_523 : i32 to index
        %swap3A_525 = arith.index_cast %add3A_483 : i32 to index
        %swap3A_526 = arith.constant 32 : index
        %swap3A_527 = tpu.vector_load %arg7[%swap3A_524, %swap3A_525, %swap3A_526] {strides = array<i32>} : memref<4x100x64xf32, #tpu.memory_space<vmem>>, vector<1x1x16xf32>,
        %swap3A_528 = vector.shape_cast %swap3A_527 : vector<1x1x16xf32> to vector<16xf32>
        %swap3A_529 = vector.shape_cast %mul3A_522 : vector<16xf32> to vector<1x1x16xf32>
        tpu.vector_store %arg7[%swap3A_524, %swap3A_525, %swap3A_526], %swap3A_529 {strides = array<i32>} : memref<4x100x64xf32, #tpu.memory_space<vmem>>, vector<1x1x16xf32>,
        %get3A_530 = arith.constant 0 : i32
        %get3A_531 = arith.index_cast %get3A_530 : i32 to index
        %get3A_532 = arith.index_cast %add3A_483 : i32 to index
        %get3A_533 = arith.constant 48 : index
        %get3A_534 = tpu.vector_load %arg6[%get3A_531, %get3A_532, %get3A_533] {strides = array<i32>} : memref<4x100x128xf32, #tpu.memory_space<vmem>>, vector<1x1x16xf32>,
        %get3A_535 = vector.shape_cast %get3A_534 : vector<1x1x16xf32> to vector<16xf32>
        %mul3A_536 = arith.constant 8.000000e+00 : f32
        %mul3A_537 = vector.broadcast %mul3A_536 : f32 to vector<16xf32>
        %mul3A_538 = arith.mulf %get3A_535, %mul3A_537 : vector<16xf32>
        %swap3A_539 = arith.constant 0 : i32
        %swap3A_540 = arith.index_cast %swap3A_539 : i32 to index
        %swap3A_541 = arith.index_cast %add3A_483 : i32 to index
        %swap3A_542 = arith.constant 48 : index
        %swap3A_543 = tpu.vector_load %arg7[%swap3A_540, %swap3A_541, %swap3A_542] {strides = array<i32>} : memref<4x100x64xf32, #tpu.memory_space<vmem>>, vector<1x1x16xf32>,
        %swap3A_544 = vector.shape_cast %swap3A_543 : vector<1x1x16xf32> to vector<16xf32>
        %swap3A_545 = vector.shape_cast %mul3A_538 : vector<16xf32> to vector<1x1x16xf32>
        tpu.vector_store %arg7[%swap3A_540, %swap3A_541, %swap3A_542], %swap3A_545 {strides = array<i32>} : memref<4x100x64xf32, #tpu.memory_space<vmem>>, vector<1x1x16xf32>,
      }
      %scan3A_163 = arith.constant 100 : i32
      %jit3A = arith.constant 2 : i32
      %div3A = arith.divsi %add3A_141, %jit3A : i32
      %sign3A = arith.constant 0 : i32
      %sign3A_164 = arith.cmpi sgt, %add3A_141, %sign3A : i32
      %sign3A_165 = arith.extui %sign3A_164 : i1 to i32
      %sign3A_166 = arith.constant 0 : i32
      %sign3A_167 = arith.cmpi slt, %add3A_141, %sign3A_166 : i32
      %sign3A_168 = arith.extui %sign3A_167 : i1 to i32
      %sign3A_169 = arith.subi %sign3A_165, %sign3A_168 : i32
      %sign3A_170 = arith.constant 0 : i32
      %sign3A_171 = arith.cmpi sgt, %jit3A, %sign3A_170 : i32
      %sign3A_172 = arith.extui %sign3A_171 : i1 to i32
      %sign3A_173 = arith.constant 0 : i32
      %sign3A_174 = arith.cmpi slt, %jit3A, %sign3A_173 : i32
      %sign3A_175 = arith.extui %sign3A_174 : i1 to i32
      %sign3A_176 = arith.subi %sign3A_172, %sign3A_175 : i32
      %ne3A = arith.cmpi ne, %sign3A_169, %sign3A_176 : i32
      %rem3A = arith.remsi %add3A_141, %jit3A : i32
      %ne3A_177 = arith.constant 0 : i32
      %ne3A_178 = arith.cmpi ne, %rem3A, %ne3A_177 : i32
      %and3A_179 = arith.andi %ne3A, %ne3A_178 : i1
      %sub3A_180 = arith.constant 1 : i32
      %sub3A_181 = arith.subi %div3A, %sub3A_180 : i32
      %select_n3A = arith.select %and3A_179, %sub3A_181, %div3A : i32
      %add3A_182 = arith.addi %mul3A_2, %select_n3A : i32
      %jit3A_183 = arith.constant 2 : i32
      %eq3A = arith.constant 0 : i32
      %eq3A_184 = arith.cmpi eq, %jit3A_183, %eq3A : i32
      %jit3A_185 = arith.constant 1 : i32
      %select_n3A_186 = arith.select %eq3A_184, %jit3A_185, %jit3A_183 : i32
      %rem3A_187 = arith.remsi %add3A_141, %select_n3A_186 : i32
      %ne3A_188 = arith.constant 0 : i32
      %ne3A_189 = arith.cmpi ne, %rem3A_187, %ne3A_188 : i32
      %lt3A_190 = arith.constant 0 : i32
      %lt3A_191 = arith.cmpi slt, %rem3A_187, %lt3A_190 : i32
      %lt3A_192 = arith.constant 0 : i32
      %lt3A_193 = arith.cmpi slt, %select_n3A_186, %lt3A_192 : i32
      %ne3A_194 = arith.xori %lt3A_191, %lt3A_193 : i1
      %and3A_195 = arith.andi %ne3A_194, %ne3A_189 : i1
      %add3A_196 = arith.addi %rem3A_187, %select_n3A_186 : i32
      %select_n3A_197 = arith.select %and3A_195, %add3A_196, %rem3A_187 : i32
      %mul3A_198 = arith.constant 100 : i32
      %mul3A_199 = arith.muli %select_n3A_197, %mul3A_198 : i32
      %dma_start3A_200 = arith.constant 0 : i32
      %dma_start3A_201 = arith.constant 0 : i32
      %dma_start3A_202 = arith.constant 0 : i32
      %dma_start3A_203 = tpu.memref_slice %arg7[%dma_start3A_200, %dma_start3A_201, %dma_start3A_202] : memref<4x100x64xf32, #tpu.memory_space<vmem>> -> memref<1x100x64xf32, #tpu.memory_space<vmem>>
      %dma_start3A_204 = tpu.memref_squeeze %dma_start3A_203 : memref<1x100x64xf32, #tpu.memory_space<vmem>> -> memref<100x64xf32, #tpu.memory_space<vmem>>
      %dma_start3A_205 = arith.constant 0 : i32
      %dma_start3A_206 = tpu.memref_slice %arg4[%add3A_182, %mul3A_199, %dma_start3A_205] : memref<4096x200x64xf32, #tpu.memory_space<hbm>> -> memref<1x100x64xf32, #tpu.memory_space<hbm>>
      %dma_start3A_207 = tpu.memref_squeeze %dma_start3A_206 : memref<1x100x64xf32, #tpu.memory_space<hbm>> -> memref<100x64xf32, #tpu.memory_space<hbm>>
      %dma_start3A_208 = arith.constant 0 : i32
      %dma_start3A_209 = tpu.memref_slice %arg4[%add3A_182, %mul3A_199, %dma_start3A_208] : memref<4096x200x64xf32, #tpu.memory_space<hbm>> -> memref<1x100x64xf32, #tpu.memory_space<hbm>>
      %dma_start3A_210 = tpu.memref_squeeze %dma_start3A_209 : memref<1x100x64xf32, #tpu.memory_space<hbm>> -> memref<100x64xf32, #tpu.memory_space<hbm>>
      %dma_start3A_211 = arith.constant 0 : i32
      %dma_start3A_212 = arith.constant 0 : i32
      %dma_start3A_213 = tpu.memref_slice %arg7[%dma_start3A_200, %dma_start3A_211, %dma_start3A_212] : memref<4x100x64xf32, #tpu.memory_space<vmem>> -> memref<1x100x64xf32, #tpu.memory_space<vmem>>
      %dma_start3A_214 = tpu.memref_squeeze %dma_start3A_213 : memref<1x100x64xf32, #tpu.memory_space<vmem>> -> memref<100x64xf32, #tpu.memory_space<vmem>>
      tpu.enqueue_dma source(%dma_start3A_214 : memref<100x64xf32, #tpu.memory_space<vmem>>) target(%dma_start3A_210 : memref<100x64xf32, #tpu.memory_space<hbm>>) target_semaphore(%arg16 : memref<!tpu.dma_semaphore, #tpu.memory_space<semaphore_mem>>)
      %add3A_215 = arith.constant 1 : i32
      %add3A_216 = arith.addi %mul3A_139, %add3A_215 : i32
      %sub3A_217 = arith.constant 1 : i32
      %sub3A_218 = arith.subi %add3A_216, %sub3A_217 : i32
      %add3A_219 = arith.constant 4 : i32
      %add3A_220 = arith.addi %sub3A_218, %add3A_219 : i32
      %ge3A_221 = arith.constant 0 : i32
      %ge3A_222 = arith.cmpi sge, %sub3A_218, %ge3A_221 : i32
      %lt3A_223 = arith.constant 256 : i32
      %lt3A_224 = arith.cmpi slt, %add3A_220, %lt3A_223 : i32
      %and3A_225 = arith.andi %ge3A_222, %lt3A_224 : i1
      %convert_element_type3A_226 = arith.extui %and3A_225 : i1 to i32
      %cond3A_227 = arith.constant 0 : i32
      %cond3A_228 = arith.cmpi ne, %convert_element_type3A_226, %cond3A_227 : i32
      scf.if %cond3A_228 {
        %jit3A_479 = arith.constant 2 : i32
        %div3A_480 = arith.divsi %sub3A_218, %jit3A_479 : i32
        %sign3A_481 = arith.constant 0 : i32
        %sign3A_482 = arith.cmpi sgt, %sub3A_218, %sign3A_481 : i32
        %sign3A_483 = arith.extui %sign3A_482 : i1 to i32
        %sign3A_484 = arith.constant 0 : i32
        %sign3A_485 = arith.cmpi slt, %sub3A_218, %sign3A_484 : i32
        %sign3A_486 = arith.extui %sign3A_485 : i1 to i32
        %sign3A_487 = arith.subi %sign3A_483, %sign3A_486 : i32
        %sign3A_488 = arith.constant 0 : i32
        %sign3A_489 = arith.cmpi sgt, %jit3A_479, %sign3A_488 : i32
        %sign3A_490 = arith.extui %sign3A_489 : i1 to i32
        %sign3A_491 = arith.constant 0 : i32
        %sign3A_492 = arith.cmpi slt, %jit3A_479, %sign3A_491 : i32
        %sign3A_493 = arith.extui %sign3A_492 : i1 to i32
        %sign3A_494 = arith.subi %sign3A_490, %sign3A_493 : i32
        %ne3A_495 = arith.cmpi ne, %sign3A_487, %sign3A_494 : i32
        %rem3A_496 = arith.remsi %sub3A_218, %jit3A_479 : i32
        %ne3A_497 = arith.constant 0 : i32
        %ne3A_498 = arith.cmpi ne, %rem3A_496, %ne3A_497 : i32
        %and3A_499 = arith.andi %ne3A_495, %ne3A_498 : i1
        %sub3A_500 = arith.constant 1 : i32
        %sub3A_501 = arith.subi %div3A_480, %sub3A_500 : i32
        %select_n3A_502 = arith.select %and3A_499, %sub3A_501, %div3A_480 : i32
        %add3A_503 = arith.addi %mul3A_2, %select_n3A_502 : i32
        %jit3A_504 = arith.constant 2 : i32
        %eq3A_505 = arith.constant 0 : i32
        %eq3A_506 = arith.cmpi eq, %jit3A_504, %eq3A_505 : i32
        %jit3A_507 = arith.constant 1 : i32
        %select_n3A_508 = arith.select %eq3A_506, %jit3A_507, %jit3A_504 : i32
        %rem3A_509 = arith.remsi %sub3A_218, %select_n3A_508 : i32
        %ne3A_510 = arith.constant 0 : i32
        %ne3A_511 = arith.cmpi ne, %rem3A_509, %ne3A_510 : i32
        %lt3A_512 = arith.constant 0 : i32
        %lt3A_513 = arith.cmpi slt, %rem3A_509, %lt3A_512 : i32
        %lt3A_514 = arith.constant 0 : i32
        %lt3A_515 = arith.cmpi slt, %select_n3A_508, %lt3A_514 : i32
        %ne3A_516 = arith.xori %lt3A_513, %lt3A_515 : i1
        %and3A_517 = arith.andi %ne3A_516, %ne3A_511 : i1
        %add3A_518 = arith.addi %rem3A_509, %select_n3A_508 : i32
        %select_n3A_519 = arith.select %and3A_517, %add3A_518, %rem3A_509 : i32
        %mul3A_520 = arith.constant 100 : i32
        %mul3A_521 = arith.muli %select_n3A_519, %mul3A_520 : i32
        %dma_wait3A_522 = arith.constant 0 : i32
        %dma_wait3A_523 = arith.constant 0 : i32
        %dma_wait3A_524 = arith.constant 0 : i32
        %dma_wait3A_525 = tpu.memref_slice %arg7[%dma_wait3A_522, %dma_wait3A_523, %dma_wait3A_524] : memref<4x100x64xf32, #tpu.memory_space<vmem>> -> memref<1x100x64xf32, #tpu.memory_space<vmem>>
        %dma_wait3A_526 = tpu.memref_squeeze %dma_wait3A_525 : memref<1x100x64xf32, #tpu.memory_space<vmem>> -> memref<100x64xf32, #tpu.memory_space<vmem>>
        %dma_wait3A_527 = arith.constant 0 : i32
        %dma_wait3A_528 = tpu.memref_slice %arg4[%add3A_503, %mul3A_521, %dma_wait3A_527] : memref<4096x200x64xf32, #tpu.memory_space<hbm>> -> memref<1x100x64xf32, #tpu.memory_space<hbm>>
        %dma_wait3A_529 = tpu.memref_squeeze %dma_wait3A_528 : memref<1x100x64xf32, #tpu.memory_space<hbm>> -> memref<100x64xf32, #tpu.memory_space<hbm>>
        %dma_wait3A_530 = arith.constant 0 : i32
        %dma_wait3A_531 = tpu.memref_slice %arg4[%add3A_503, %mul3A_521, %dma_wait3A_530] : memref<4096x200x64xf32, #tpu.memory_space<hbm>> -> memref<1x100x64xf32, #tpu.memory_space<hbm>>
        %dma_wait3A_532 = tpu.memref_squeeze %dma_wait3A_531 : memref<1x100x64xf32, #tpu.memory_space<hbm>> -> memref<100x64xf32, #tpu.memory_space<hbm>>
        %dma_wait3A_533 = arith.constant 0 : i32
        %dma_wait3A_534 = arith.constant 0 : i32
        %dma_wait3A_535 = tpu.memref_slice %arg7[%dma_wait3A_522, %dma_wait3A_533, %dma_wait3A_534] : memref<4x100x64xf32, #tpu.memory_space<vmem>> -> memref<1x100x64xf32, #tpu.memory_space<vmem>>
        %dma_wait3A_536 = tpu.memref_squeeze %dma_wait3A_535 : memref<1x100x64xf32, #tpu.memory_space<vmem>> -> memref<100x64xf32, #tpu.memory_space<vmem>>
        tpu.wait_dma2 semaphore(%arg16 : memref<!tpu.dma_semaphore, #tpu.memory_space<semaphore_mem>>) src(%dma_wait3A_536 : memref<100x64xf32, #tpu.memory_space<vmem>>) dst(%dma_wait3A_532 : memref<100x64xf32, #tpu.memory_space<hbm>>)
        %dma_start3A_537 = arith.constant 0 : i32
        %dma_start3A_538 = arith.constant 0 : i32
        %dma_start3A_539 = arith.constant 0 : i32
        %dma_start3A_540 = tpu.memref_slice %arg6[%dma_start3A_537, %dma_start3A_538, %dma_start3A_539] : memref<4x100x128xf32, #tpu.memory_space<vmem>> -> memref<1x100x128xf32, #tpu.memory_space<vmem>>
        %dma_start3A_541 = tpu.memref_squeeze %dma_start3A_540 : memref<1x100x128xf32, #tpu.memory_space<vmem>> -> memref<100x128xf32, #tpu.memory_space<vmem>>
        %dma_start3A_542 = arith.constant 0 : i32
        %dma_start3A_543 = tpu.memref_slice %arg5[%add3A_220, %dma_start3A_542] : memref<256x100xi32, #tpu.memory_space<vmem>> -> memref<1x100xi32, #tpu.memory_space<vmem>>
        %dma_start3A_544 = tpu.memref_squeeze %dma_start3A_543 : memref<1x100xi32, #tpu.memory_space<vmem>> -> memref<100xi32, #tpu.memory_space<vmem>>
        %dma_start3A_545 = arith.constant 0 : i32
        %dma_start3A_546 = arith.constant 0 : i32
        %dma_start3A_547 = tpu.memref_slice %arg3[%dma_start3A_545, %dma_start3A_546] : memref<1000000x128xf32, #tpu.memory_space<hbm>> -> memref<1000000x128xf32, #tpu.memory_space<hbm>>
        tpu.enqueue_indirect_dma source(%dma_start3A_547 : memref<1000000x128xf32, #tpu.memory_space<hbm>>) target(%dma_start3A_541 : memref<100x128xf32, #tpu.memory_space<vmem>>) offsets(%dma_start3A_544 : memref<100xi32, #tpu.memory_space<vmem>>) semaphore(%arg8 : memref<!tpu.dma_semaphore, #tpu.memory_space<semaphore_mem>>)
      } else {
      }
      %dma_wait3A_229 = arith.constant 1 : i32
      %dma_wait3A_230 = arith.constant 0 : i32
      %dma_wait3A_231 = arith.constant 0 : i32
      %dma_wait3A_232 = tpu.memref_slice %arg6[%dma_wait3A_229, %dma_wait3A_230, %dma_wait3A_231] : memref<4x100x128xf32, #tpu.memory_space<vmem>> -> memref<1x100x128xf32, #tpu.memory_space<vmem>>
      %dma_wait3A_233 = tpu.memref_squeeze %dma_wait3A_232 : memref<1x100x128xf32, #tpu.memory_space<vmem>> -> memref<100x128xf32, #tpu.memory_space<vmem>>
      %dma_wait3A_234 = arith.constant 0 : i32
      %dma_wait3A_235 = tpu.memref_slice %arg5[%add3A_216, %dma_wait3A_234] : memref<256x100xi32, #tpu.memory_space<vmem>> -> memref<1x100xi32, #tpu.memory_space<vmem>>
      %dma_wait3A_236 = tpu.memref_squeeze %dma_wait3A_235 : memref<1x100xi32, #tpu.memory_space<vmem>> -> memref<100xi32, #tpu.memory_space<vmem>>
      %dma_wait3A_237 = arith.constant 0 : i32
      %dma_wait3A_238 = arith.constant 0 : i32
      %dma_wait3A_239 = tpu.memref_slice %arg3[%dma_wait3A_237, %dma_wait3A_238] : memref<1000000x128xf32, #tpu.memory_space<hbm>> -> memref<1000000x128xf32, #tpu.memory_space<hbm>>
      tpu.wait_indirect_dma semaphore(%arg9 : memref<!tpu.dma_semaphore, #tpu.memory_space<semaphore_mem>>) src(%dma_wait3A_239 : memref<1000000x128xf32, #tpu.memory_space<hbm>>) dst(%dma_wait3A_233 : memref<100x128xf32, #tpu.memory_space<vmem>>)
      %scan3A_240 = arith.constant 0 : i32
      %scan3A_241 = arith.constant 100 : i32
      %scan3A_242 = arith.addi %scan3A_240, %scan3A_241 : i32
      %scan3A_243 = arith.constant 1 : i32
      scf.for %scan3A_479 = %scan3A_240 to %scan3A_242 step %scan3A_243  : i32 {
        %mul3A_480 = arith.constant 1 : i32
        %mul3A_481 = arith.muli %scan3A_479, %mul3A_480 : i32
        %add3A_482 = arith.constant 0 : i32
        %add3A_483 = arith.addi %add3A_482, %mul3A_481 : i32
        %get3A = arith.constant 1 : i32
        %get3A_484 = arith.index_cast %get3A : i32 to index
        %get3A_485 = arith.index_cast %add3A_483 : i32 to index
        %get3A_486 = arith.constant 0 : index
        %get3A_487 = tpu.vector_load %arg6[%get3A_484, %get3A_485, %get3A_486] {strides = array<i32>} : memref<4x100x128xf32, #tpu.memory_space<vmem>>, vector<1x1x16xf32>,
        %get3A_488 = vector.shape_cast %get3A_487 : vector<1x1x16xf32> to vector<16xf32>
        %mul3A_489 = arith.constant 8.000000e+00 : f32
        %mul3A_490 = vector.broadcast %mul3A_489 : f32 to vector<16xf32>
        %mul3A_491 = arith.mulf %get3A_488, %mul3A_490 : vector<16xf32>
        %swap3A = arith.constant 1 : i32
        %swap3A_492 = arith.index_cast %swap3A : i32 to index
        %swap3A_493 = arith.index_cast %add3A_483 : i32 to index
        %swap3A_494 = arith.constant 0 : index
        %swap3A_495 = tpu.vector_load %arg7[%swap3A_492, %swap3A_493, %swap3A_494] {strides = array<i32>} : memref<4x100x64xf32, #tpu.memory_space<vmem>>, vector<1x1x16xf32>,
        %swap3A_496 = vector.shape_cast %swap3A_495 : vector<1x1x16xf32> to vector<16xf32>
        %swap3A_497 = vector.shape_cast %mul3A_491 : vector<16xf32> to vector<1x1x16xf32>
        tpu.vector_store %arg7[%swap3A_492, %swap3A_493, %swap3A_494], %swap3A_497 {strides = array<i32>} : memref<4x100x64xf32, #tpu.memory_space<vmem>>, vector<1x1x16xf32>,
        %get3A_498 = arith.constant 1 : i32
        %get3A_499 = arith.index_cast %get3A_498 : i32 to index
        %get3A_500 = arith.index_cast %add3A_483 : i32 to index
        %get3A_501 = arith.constant 16 : index
        %get3A_502 = tpu.vector_load %arg6[%get3A_499, %get3A_500, %get3A_501] {strides = array<i32>} : memref<4x100x128xf32, #tpu.memory_space<vmem>>, vector<1x1x16xf32>,
        %get3A_503 = vector.shape_cast %get3A_502 : vector<1x1x16xf32> to vector<16xf32>
        %mul3A_504 = arith.constant 8.000000e+00 : f32
        %mul3A_505 = vector.broadcast %mul3A_504 : f32 to vector<16xf32>
        %mul3A_506 = arith.mulf %get3A_503, %mul3A_505 : vector<16xf32>
        %swap3A_507 = arith.constant 1 : i32
        %swap3A_508 = arith.index_cast %swap3A_507 : i32 to index
        %swap3A_509 = arith.index_cast %add3A_483 : i32 to index
        %swap3A_510 = arith.constant 16 : index
        %swap3A_511 = tpu.vector_load %arg7[%swap3A_508, %swap3A_509, %swap3A_510] {strides = array<i32>} : memref<4x100x64xf32, #tpu.memory_space<vmem>>, vector<1x1x16xf32>,
        %swap3A_512 = vector.shape_cast %swap3A_511 : vector<1x1x16xf32> to vector<16xf32>
        %swap3A_513 = vector.shape_cast %mul3A_506 : vector<16xf32> to vector<1x1x16xf32>
        tpu.vector_store %arg7[%swap3A_508, %swap3A_509, %swap3A_510], %swap3A_513 {strides = array<i32>} : memref<4x100x64xf32, #tpu.memory_space<vmem>>, vector<1x1x16xf32>,
        %get3A_514 = arith.constant 1 : i32
        %get3A_515 = arith.index_cast %get3A_514 : i32 to index
        %get3A_516 = arith.index_cast %add3A_483 : i32 to index
        %get3A_517 = arith.constant 32 : index
        %get3A_518 = tpu.vector_load %arg6[%get3A_515, %get3A_516, %get3A_517] {strides = array<i32>} : memref<4x100x128xf32, #tpu.memory_space<vmem>>, vector<1x1x16xf32>,
        %get3A_519 = vector.shape_cast %get3A_518 : vector<1x1x16xf32> to vector<16xf32>
        %mul3A_520 = arith.constant 8.000000e+00 : f32
        %mul3A_521 = vector.broadcast %mul3A_520 : f32 to vector<16xf32>
        %mul3A_522 = arith.mulf %get3A_519, %mul3A_521 : vector<16xf32>
        %swap3A_523 = arith.constant 1 : i32
        %swap3A_524 = arith.index_cast %swap3A_523 : i32 to index
        %swap3A_525 = arith.index_cast %add3A_483 : i32 to index
        %swap3A_526 = arith.constant 32 : index
        %swap3A_527 = tpu.vector_load %arg7[%swap3A_524, %swap3A_525, %swap3A_526] {strides = array<i32>} : memref<4x100x64xf32, #tpu.memory_space<vmem>>, vector<1x1x16xf32>,
        %swap3A_528 = vector.shape_cast %swap3A_527 : vector<1x1x16xf32> to vector<16xf32>
        %swap3A_529 = vector.shape_cast %mul3A_522 : vector<16xf32> to vector<1x1x16xf32>
        tpu.vector_store %arg7[%swap3A_524, %swap3A_525, %swap3A_526], %swap3A_529 {strides = array<i32>} : memref<4x100x64xf32, #tpu.memory_space<vmem>>, vector<1x1x16xf32>,
        %get3A_530 = arith.constant 1 : i32
        %get3A_531 = arith.index_cast %get3A_530 : i32 to index
        %get3A_532 = arith.index_cast %add3A_483 : i32 to index
        %get3A_533 = arith.constant 48 : index
        %get3A_534 = tpu.vector_load %arg6[%get3A_531, %get3A_532, %get3A_533] {strides = array<i32>} : memref<4x100x128xf32, #tpu.memory_space<vmem>>, vector<1x1x16xf32>,
        %get3A_535 = vector.shape_cast %get3A_534 : vector<1x1x16xf32> to vector<16xf32>
        %mul3A_536 = arith.constant 8.000000e+00 : f32
        %mul3A_537 = vector.broadcast %mul3A_536 : f32 to vector<16xf32>
        %mul3A_538 = arith.mulf %get3A_535, %mul3A_537 : vector<16xf32>
        %swap3A_539 = arith.constant 1 : i32
        %swap3A_540 = arith.index_cast %swap3A_539 : i32 to index
        %swap3A_541 = arith.index_cast %add3A_483 : i32 to index
        %swap3A_542 = arith.constant 48 : index
        %swap3A_543 = tpu.vector_load %arg7[%swap3A_540, %swap3A_541, %swap3A_542] {strides = array<i32>} : memref<4x100x64xf32, #tpu.memory_space<vmem>>, vector<1x1x16xf32>,
        %swap3A_544 = vector.shape_cast %swap3A_543 : vector<1x1x16xf32> to vector<16xf32>
        %swap3A_545 = vector.shape_cast %mul3A_538 : vector<16xf32> to vector<1x1x16xf32>
        tpu.vector_store %arg7[%swap3A_540, %swap3A_541, %swap3A_542], %swap3A_545 {strides = array<i32>} : memref<4x100x64xf32, #tpu.memory_space<vmem>>, vector<1x1x16xf32>,
      }
      %scan3A_244 = arith.constant 100 : i32
      %jit3A_245 = arith.constant 2 : i32
      %div3A_246 = arith.divsi %add3A_216, %jit3A_245 : i32
      %sign3A_247 = arith.constant 0 : i32
      %sign3A_248 = arith.cmpi sgt, %add3A_216, %sign3A_247 : i32
      %sign3A_249 = arith.extui %sign3A_248 : i1 to i32
      %sign3A_250 = arith.constant 0 : i32
      %sign3A_251 = arith.cmpi slt, %add3A_216, %sign3A_250 : i32
      %sign3A_252 = arith.extui %sign3A_251 : i1 to i32
      %sign3A_253 = arith.subi %sign3A_249, %sign3A_252 : i32
      %sign3A_254 = arith.constant 0 : i32
      %sign3A_255 = arith.cmpi sgt, %jit3A_245, %sign3A_254 : i32
      %sign3A_256 = arith.extui %sign3A_255 : i1 to i32
      %sign3A_257 = arith.constant 0 : i32
      %sign3A_258 = arith.cmpi slt, %jit3A_245, %sign3A_257 : i32
      %sign3A_259 = arith.extui %sign3A_258 : i1 to i32
      %sign3A_260 = arith.subi %sign3A_256, %sign3A_259 : i32
      %ne3A_261 = arith.cmpi ne, %sign3A_253, %sign3A_260 : i32
      %rem3A_262 = arith.remsi %add3A_216, %jit3A_245 : i32
      %ne3A_263 = arith.constant 0 : i32
      %ne3A_264 = arith.cmpi ne, %rem3A_262, %ne3A_263 : i32
      %and3A_265 = arith.andi %ne3A_261, %ne3A_264 : i1
      %sub3A_266 = arith.constant 1 : i32
      %sub3A_267 = arith.subi %div3A_246, %sub3A_266 : i32
      %select_n3A_268 = arith.select %and3A_265, %sub3A_267, %div3A_246 : i32
      %add3A_269 = arith.addi %mul3A_2, %select_n3A_268 : i32
      %jit3A_270 = arith.constant 2 : i32
      %eq3A_271 = arith.constant 0 : i32
      %eq3A_272 = arith.cmpi eq, %jit3A_270, %eq3A_271 : i32
      %jit3A_273 = arith.constant 1 : i32
      %select_n3A_274 = arith.select %eq3A_272, %jit3A_273, %jit3A_270 : i32
      %rem3A_275 = arith.remsi %add3A_216, %select_n3A_274 : i32
      %ne3A_276 = arith.constant 0 : i32
      %ne3A_277 = arith.cmpi ne, %rem3A_275, %ne3A_276 : i32
      %lt3A_278 = arith.constant 0 : i32
      %lt3A_279 = arith.cmpi slt, %rem3A_275, %lt3A_278 : i32
      %lt3A_280 = arith.constant 0 : i32
      %lt3A_281 = arith.cmpi slt, %select_n3A_274, %lt3A_280 : i32
      %ne3A_282 = arith.xori %lt3A_279, %lt3A_281 : i1
      %and3A_283 = arith.andi %ne3A_282, %ne3A_277 : i1
      %add3A_284 = arith.addi %rem3A_275, %select_n3A_274 : i32
      %select_n3A_285 = arith.select %and3A_283, %add3A_284, %rem3A_275 : i32
      %mul3A_286 = arith.constant 100 : i32
      %mul3A_287 = arith.muli %select_n3A_285, %mul3A_286 : i32
      %dma_start3A_288 = arith.constant 1 : i32
      %dma_start3A_289 = arith.constant 0 : i32
      %dma_start3A_290 = arith.constant 0 : i32
      %dma_start3A_291 = tpu.memref_slice %arg7[%dma_start3A_288, %dma_start3A_289, %dma_start3A_290] : memref<4x100x64xf32, #tpu.memory_space<vmem>> -> memref<1x100x64xf32, #tpu.memory_space<vmem>>
      %dma_start3A_292 = tpu.memref_squeeze %dma_start3A_291 : memref<1x100x64xf32, #tpu.memory_space<vmem>> -> memref<100x64xf32, #tpu.memory_space<vmem>>
      %dma_start3A_293 = arith.constant 0 : i32
      %dma_start3A_294 = tpu.memref_slice %arg4[%add3A_269, %mul3A_287, %dma_start3A_293] : memref<4096x200x64xf32, #tpu.memory_space<hbm>> -> memref<1x100x64xf32, #tpu.memory_space<hbm>>
      %dma_start3A_295 = tpu.memref_squeeze %dma_start3A_294 : memref<1x100x64xf32, #tpu.memory_space<hbm>> -> memref<100x64xf32, #tpu.memory_space<hbm>>
      %dma_start3A_296 = arith.constant 0 : i32
      %dma_start3A_297 = tpu.memref_slice %arg4[%add3A_269, %mul3A_287, %dma_start3A_296] : memref<4096x200x64xf32, #tpu.memory_space<hbm>> -> memref<1x100x64xf32, #tpu.memory_space<hbm>>
      %dma_start3A_298 = tpu.memref_squeeze %dma_start3A_297 : memref<1x100x64xf32, #tpu.memory_space<hbm>> -> memref<100x64xf32, #tpu.memory_space<hbm>>
      %dma_start3A_299 = arith.constant 0 : i32
      %dma_start3A_300 = arith.constant 0 : i32
      %dma_start3A_301 = tpu.memref_slice %arg7[%dma_start3A_288, %dma_start3A_299, %dma_start3A_300] : memref<4x100x64xf32, #tpu.memory_space<vmem>> -> memref<1x100x64xf32, #tpu.memory_space<vmem>>
      %dma_start3A_302 = tpu.memref_squeeze %dma_start3A_301 : memref<1x100x64xf32, #tpu.memory_space<vmem>> -> memref<100x64xf32, #tpu.memory_space<vmem>>
      tpu.enqueue_dma source(%dma_start3A_302 : memref<100x64xf32, #tpu.memory_space<vmem>>) target(%dma_start3A_298 : memref<100x64xf32, #tpu.memory_space<hbm>>) target_semaphore(%arg17 : memref<!tpu.dma_semaphore, #tpu.memory_space<semaphore_mem>>)
      %add3A_303 = arith.constant 2 : i32
      %add3A_304 = arith.addi %mul3A_139, %add3A_303 : i32
      %sub3A_305 = arith.constant 1 : i32
      %sub3A_306 = arith.subi %add3A_304, %sub3A_305 : i32
      %add3A_307 = arith.constant 4 : i32
      %add3A_308 = arith.addi %sub3A_306, %add3A_307 : i32
      %ge3A_309 = arith.constant 0 : i32
      %ge3A_310 = arith.cmpi sge, %sub3A_306, %ge3A_309 : i32
      %lt3A_311 = arith.constant 256 : i32
      %lt3A_312 = arith.cmpi slt, %add3A_308, %lt3A_311 : i32
      %and3A_313 = arith.andi %ge3A_310, %lt3A_312 : i1
      %convert_element_type3A_314 = arith.extui %and3A_313 : i1 to i32
      %cond3A_315 = arith.constant 0 : i32
      %cond3A_316 = arith.cmpi ne, %convert_element_type3A_314, %cond3A_315 : i32
      scf.if %cond3A_316 {
        %jit3A_479 = arith.constant 2 : i32
        %div3A_480 = arith.divsi %sub3A_306, %jit3A_479 : i32
        %sign3A_481 = arith.constant 0 : i32
        %sign3A_482 = arith.cmpi sgt, %sub3A_306, %sign3A_481 : i32
        %sign3A_483 = arith.extui %sign3A_482 : i1 to i32
        %sign3A_484 = arith.constant 0 : i32
        %sign3A_485 = arith.cmpi slt, %sub3A_306, %sign3A_484 : i32
        %sign3A_486 = arith.extui %sign3A_485 : i1 to i32
        %sign3A_487 = arith.subi %sign3A_483, %sign3A_486 : i32
        %sign3A_488 = arith.constant 0 : i32
        %sign3A_489 = arith.cmpi sgt, %jit3A_479, %sign3A_488 : i32
        %sign3A_490 = arith.extui %sign3A_489 : i1 to i32
        %sign3A_491 = arith.constant 0 : i32
        %sign3A_492 = arith.cmpi slt, %jit3A_479, %sign3A_491 : i32
        %sign3A_493 = arith.extui %sign3A_492 : i1 to i32
        %sign3A_494 = arith.subi %sign3A_490, %sign3A_493 : i32
        %ne3A_495 = arith.cmpi ne, %sign3A_487, %sign3A_494 : i32
        %rem3A_496 = arith.remsi %sub3A_306, %jit3A_479 : i32
        %ne3A_497 = arith.constant 0 : i32
        %ne3A_498 = arith.cmpi ne, %rem3A_496, %ne3A_497 : i32
        %and3A_499 = arith.andi %ne3A_495, %ne3A_498 : i1
        %sub3A_500 = arith.constant 1 : i32
        %sub3A_501 = arith.subi %div3A_480, %sub3A_500 : i32
        %select_n3A_502 = arith.select %and3A_499, %sub3A_501, %div3A_480 : i32
        %add3A_503 = arith.addi %mul3A_2, %select_n3A_502 : i32
        %jit3A_504 = arith.constant 2 : i32
        %eq3A_505 = arith.constant 0 : i32
        %eq3A_506 = arith.cmpi eq, %jit3A_504, %eq3A_505 : i32
        %jit3A_507 = arith.constant 1 : i32
        %select_n3A_508 = arith.select %eq3A_506, %jit3A_507, %jit3A_504 : i32
        %rem3A_509 = arith.remsi %sub3A_306, %select_n3A_508 : i32
        %ne3A_510 = arith.constant 0 : i32
        %ne3A_511 = arith.cmpi ne, %rem3A_509, %ne3A_510 : i32
        %lt3A_512 = arith.constant 0 : i32
        %lt3A_513 = arith.cmpi slt, %rem3A_509, %lt3A_512 : i32
        %lt3A_514 = arith.constant 0 : i32
        %lt3A_515 = arith.cmpi slt, %select_n3A_508, %lt3A_514 : i32
        %ne3A_516 = arith.xori %lt3A_513, %lt3A_515 : i1
        %and3A_517 = arith.andi %ne3A_516, %ne3A_511 : i1
        %add3A_518 = arith.addi %rem3A_509, %select_n3A_508 : i32
        %select_n3A_519 = arith.select %and3A_517, %add3A_518, %rem3A_509 : i32
        %mul3A_520 = arith.constant 100 : i32
        %mul3A_521 = arith.muli %select_n3A_519, %mul3A_520 : i32
        %dma_wait3A_522 = arith.constant 1 : i32
        %dma_wait3A_523 = arith.constant 0 : i32
        %dma_wait3A_524 = arith.constant 0 : i32
        %dma_wait3A_525 = tpu.memref_slice %arg7[%dma_wait3A_522, %dma_wait3A_523, %dma_wait3A_524] : memref<4x100x64xf32, #tpu.memory_space<vmem>> -> memref<1x100x64xf32, #tpu.memory_space<vmem>>
        %dma_wait3A_526 = tpu.memref_squeeze %dma_wait3A_525 : memref<1x100x64xf32, #tpu.memory_space<vmem>> -> memref<100x64xf32, #tpu.memory_space<vmem>>
        %dma_wait3A_527 = arith.constant 0 : i32
        %dma_wait3A_528 = tpu.memref_slice %arg4[%add3A_503, %mul3A_521, %dma_wait3A_527] : memref<4096x200x64xf32, #tpu.memory_space<hbm>> -> memref<1x100x64xf32, #tpu.memory_space<hbm>>
        %dma_wait3A_529 = tpu.memref_squeeze %dma_wait3A_528 : memref<1x100x64xf32, #tpu.memory_space<hbm>> -> memref<100x64xf32, #tpu.memory_space<hbm>>
        %dma_wait3A_530 = arith.constant 0 : i32
        %dma_wait3A_531 = tpu.memref_slice %arg4[%add3A_503, %mul3A_521, %dma_wait3A_530] : memref<4096x200x64xf32, #tpu.memory_space<hbm>> -> memref<1x100x64xf32, #tpu.memory_space<hbm>>
        %dma_wait3A_532 = tpu.memref_squeeze %dma_wait3A_531 : memref<1x100x64xf32, #tpu.memory_space<hbm>> -> memref<100x64xf32, #tpu.memory_space<hbm>>
        %dma_wait3A_533 = arith.constant 0 : i32
        %dma_wait3A_534 = arith.constant 0 : i32
        %dma_wait3A_535 = tpu.memref_slice %arg7[%dma_wait3A_522, %dma_wait3A_533, %dma_wait3A_534] : memref<4x100x64xf32, #tpu.memory_space<vmem>> -> memref<1x100x64xf32, #tpu.memory_space<vmem>>
        %dma_wait3A_536 = tpu.memref_squeeze %dma_wait3A_535 : memref<1x100x64xf32, #tpu.memory_space<vmem>> -> memref<100x64xf32, #tpu.memory_space<vmem>>
        tpu.wait_dma2 semaphore(%arg17 : memref<!tpu.dma_semaphore, #tpu.memory_space<semaphore_mem>>) src(%dma_wait3A_536 : memref<100x64xf32, #tpu.memory_space<vmem>>) dst(%dma_wait3A_532 : memref<100x64xf32, #tpu.memory_space<hbm>>)
        %dma_start3A_537 = arith.constant 1 : i32
        %dma_start3A_538 = arith.constant 0 : i32
        %dma_start3A_539 = arith.constant 0 : i32
        %dma_start3A_540 = tpu.memref_slice %arg6[%dma_start3A_537, %dma_start3A_538, %dma_start3A_539] : memref<4x100x128xf32, #tpu.memory_space<vmem>> -> memref<1x100x128xf32, #tpu.memory_space<vmem>>
        %dma_start3A_541 = tpu.memref_squeeze %dma_start3A_540 : memref<1x100x128xf32, #tpu.memory_space<vmem>> -> memref<100x128xf32, #tpu.memory_space<vmem>>
        %dma_start3A_542 = arith.constant 0 : i32
        %dma_start3A_543 = tpu.memref_slice %arg5[%add3A_308, %dma_start3A_542] : memref<256x100xi32, #tpu.memory_space<vmem>> -> memref<1x100xi32, #tpu.memory_space<vmem>>
        %dma_start3A_544 = tpu.memref_squeeze %dma_start3A_543 : memref<1x100xi32, #tpu.memory_space<vmem>> -> memref<100xi32, #tpu.memory_space<vmem>>
        %dma_start3A_545 = arith.constant 0 : i32
        %dma_start3A_546 = arith.constant 0 : i32
        %dma_start3A_547 = tpu.memref_slice %arg3[%dma_start3A_545, %dma_start3A_546] : memref<1000000x128xf32, #tpu.memory_space<hbm>> -> memref<1000000x128xf32, #tpu.memory_space<hbm>>
        tpu.enqueue_indirect_dma source(%dma_start3A_547 : memref<1000000x128xf32, #tpu.memory_space<hbm>>) target(%dma_start3A_541 : memref<100x128xf32, #tpu.memory_space<vmem>>) offsets(%dma_start3A_544 : memref<100xi32, #tpu.memory_space<vmem>>) semaphore(%arg9 : memref<!tpu.dma_semaphore, #tpu.memory_space<semaphore_mem>>)
      } else {
      }
      %dma_wait3A_317 = arith.constant 2 : i32
      %dma_wait3A_318 = arith.constant 0 : i32
      %dma_wait3A_319 = arith.constant 0 : i32
      %dma_wait3A_320 = tpu.memref_slice %arg6[%dma_wait3A_317, %dma_wait3A_318, %dma_wait3A_319] : memref<4x100x128xf32, #tpu.memory_space<vmem>> -> memref<1x100x128xf32, #tpu.memory_space<vmem>>
      %dma_wait3A_321 = tpu.memref_squeeze %dma_wait3A_320 : memref<1x100x128xf32, #tpu.memory_space<vmem>> -> memref<100x128xf32, #tpu.memory_space<vmem>>
      %dma_wait3A_322 = arith.constant 0 : i32
      %dma_wait3A_323 = tpu.memref_slice %arg5[%add3A_304, %dma_wait3A_322] : memref<256x100xi32, #tpu.memory_space<vmem>> -> memref<1x100xi32, #tpu.memory_space<vmem>>
      %dma_wait3A_324 = tpu.memref_squeeze %dma_wait3A_323 : memref<1x100xi32, #tpu.memory_space<vmem>> -> memref<100xi32, #tpu.memory_space<vmem>>
      %dma_wait3A_325 = arith.constant 0 : i32
      %dma_wait3A_326 = arith.constant 0 : i32
      %dma_wait3A_327 = tpu.memref_slice %arg3[%dma_wait3A_325, %dma_wait3A_326] : memref<1000000x128xf32, #tpu.memory_space<hbm>> -> memref<1000000x128xf32, #tpu.memory_space<hbm>>
      tpu.wait_indirect_dma semaphore(%arg10 : memref<!tpu.dma_semaphore, #tpu.memory_space<semaphore_mem>>) src(%dma_wait3A_327 : memref<1000000x128xf32, #tpu.memory_space<hbm>>) dst(%dma_wait3A_321 : memref<100x128xf32, #tpu.memory_space<vmem>>)
      %scan3A_328 = arith.constant 0 : i32
      %scan3A_329 = arith.constant 100 : i32
      %scan3A_330 = arith.addi %scan3A_328, %scan3A_329 : i32
      %scan3A_331 = arith.constant 1 : i32
      scf.for %scan3A_479 = %scan3A_328 to %scan3A_330 step %scan3A_331  : i32 {
        %mul3A_480 = arith.constant 1 : i32
        %mul3A_481 = arith.muli %scan3A_479, %mul3A_480 : i32
        %add3A_482 = arith.constant 0 : i32
        %add3A_483 = arith.addi %add3A_482, %mul3A_481 : i32
        %get3A = arith.constant 2 : i32
        %get3A_484 = arith.index_cast %get3A : i32 to index
        %get3A_485 = arith.index_cast %add3A_483 : i32 to index
        %get3A_486 = arith.constant 0 : index
        %get3A_487 = tpu.vector_load %arg6[%get3A_484, %get3A_485, %get3A_486] {strides = array<i32>} : memref<4x100x128xf32, #tpu.memory_space<vmem>>, vector<1x1x16xf32>,
        %get3A_488 = vector.shape_cast %get3A_487 : vector<1x1x16xf32> to vector<16xf32>
        %mul3A_489 = arith.constant 8.000000e+00 : f32
        %mul3A_490 = vector.broadcast %mul3A_489 : f32 to vector<16xf32>
        %mul3A_491 = arith.mulf %get3A_488, %mul3A_490 : vector<16xf32>
        %swap3A = arith.constant 2 : i32
        %swap3A_492 = arith.index_cast %swap3A : i32 to index
        %swap3A_493 = arith.index_cast %add3A_483 : i32 to index
        %swap3A_494 = arith.constant 0 : index
        %swap3A_495 = tpu.vector_load %arg7[%swap3A_492, %swap3A_493, %swap3A_494] {strides = array<i32>} : memref<4x100x64xf32, #tpu.memory_space<vmem>>, vector<1x1x16xf32>,
        %swap3A_496 = vector.shape_cast %swap3A_495 : vector<1x1x16xf32> to vector<16xf32>
        %swap3A_497 = vector.shape_cast %mul3A_491 : vector<16xf32> to vector<1x1x16xf32>
        tpu.vector_store %arg7[%swap3A_492, %swap3A_493, %swap3A_494], %swap3A_497 {strides = array<i32>} : memref<4x100x64xf32, #tpu.memory_space<vmem>>, vector<1x1x16xf32>,
        %get3A_498 = arith.constant 2 : i32
        %get3A_499 = arith.index_cast %get3A_498 : i32 to index
        %get3A_500 = arith.index_cast %add3A_483 : i32 to index
        %get3A_501 = arith.constant 16 : index
        %get3A_502 = tpu.vector_load %arg6[%get3A_499, %get3A_500, %get3A_501] {strides = array<i32>} : memref<4x100x128xf32, #tpu.memory_space<vmem>>, vector<1x1x16xf32>,
        %get3A_503 = vector.shape_cast %get3A_502 : vector<1x1x16xf32> to vector<16xf32>
        %mul3A_504 = arith.constant 8.000000e+00 : f32
        %mul3A_505 = vector.broadcast %mul3A_504 : f32 to vector<16xf32>
        %mul3A_506 = arith.mulf %get3A_503, %mul3A_505 : vector<16xf32>
        %swap3A_507 = arith.constant 2 : i32
        %swap3A_508 = arith.index_cast %swap3A_507 : i32 to index
        %swap3A_509 = arith.index_cast %add3A_483 : i32 to index
        %swap3A_510 = arith.constant 16 : index
        %swap3A_511 = tpu.vector_load %arg7[%swap3A_508, %swap3A_509, %swap3A_510] {strides = array<i32>} : memref<4x100x64xf32, #tpu.memory_space<vmem>>, vector<1x1x16xf32>,
        %swap3A_512 = vector.shape_cast %swap3A_511 : vector<1x1x16xf32> to vector<16xf32>
        %swap3A_513 = vector.shape_cast %mul3A_506 : vector<16xf32> to vector<1x1x16xf32>
        tpu.vector_store %arg7[%swap3A_508, %swap3A_509, %swap3A_510], %swap3A_513 {strides = array<i32>} : memref<4x100x64xf32, #tpu.memory_space<vmem>>, vector<1x1x16xf32>,
        %get3A_514 = arith.constant 2 : i32
        %get3A_515 = arith.index_cast %get3A_514 : i32 to index
        %get3A_516 = arith.index_cast %add3A_483 : i32 to index
        %get3A_517 = arith.constant 32 : index
        %get3A_518 = tpu.vector_load %arg6[%get3A_515, %get3A_516, %get3A_517] {strides = array<i32>} : memref<4x100x128xf32, #tpu.memory_space<vmem>>, vector<1x1x16xf32>,
        %get3A_519 = vector.shape_cast %get3A_518 : vector<1x1x16xf32> to vector<16xf32>
        %mul3A_520 = arith.constant 8.000000e+00 : f32
        %mul3A_521 = vector.broadcast %mul3A_520 : f32 to vector<16xf32>
        %mul3A_522 = arith.mulf %get3A_519, %mul3A_521 : vector<16xf32>
        %swap3A_523 = arith.constant 2 : i32
        %swap3A_524 = arith.index_cast %swap3A_523 : i32 to index
        %swap3A_525 = arith.index_cast %add3A_483 : i32 to index
        %swap3A_526 = arith.constant 32 : index
        %swap3A_527 = tpu.vector_load %arg7[%swap3A_524, %swap3A_525, %swap3A_526] {strides = array<i32>} : memref<4x100x64xf32, #tpu.memory_space<vmem>>, vector<1x1x16xf32>,
        %swap3A_528 = vector.shape_cast %swap3A_527 : vector<1x1x16xf32> to vector<16xf32>
        %swap3A_529 = vector.shape_cast %mul3A_522 : vector<16xf32> to vector<1x1x16xf32>
        tpu.vector_store %arg7[%swap3A_524, %swap3A_525, %swap3A_526], %swap3A_529 {strides = array<i32>} : memref<4x100x64xf32, #tpu.memory_space<vmem>>, vector<1x1x16xf32>,
        %get3A_530 = arith.constant 2 : i32
        %get3A_531 = arith.index_cast %get3A_530 : i32 to index
        %get3A_532 = arith.index_cast %add3A_483 : i32 to index
        %get3A_533 = arith.constant 48 : index
        %get3A_534 = tpu.vector_load %arg6[%get3A_531, %get3A_532, %get3A_533] {strides = array<i32>} : memref<4x100x128xf32, #tpu.memory_space<vmem>>, vector<1x1x16xf32>,
        %get3A_535 = vector.shape_cast %get3A_534 : vector<1x1x16xf32> to vector<16xf32>
        %mul3A_536 = arith.constant 8.000000e+00 : f32
        %mul3A_537 = vector.broadcast %mul3A_536 : f32 to vector<16xf32>
        %mul3A_538 = arith.mulf %get3A_535, %mul3A_537 : vector<16xf32>
        %swap3A_539 = arith.constant 2 : i32
        %swap3A_540 = arith.index_cast %swap3A_539 : i32 to index
        %swap3A_541 = arith.index_cast %add3A_483 : i32 to index
        %swap3A_542 = arith.constant 48 : index
        %swap3A_543 = tpu.vector_load %arg7[%swap3A_540, %swap3A_541, %swap3A_542] {strides = array<i32>} : memref<4x100x64xf32, #tpu.memory_space<vmem>>, vector<1x1x16xf32>,
        %swap3A_544 = vector.shape_cast %swap3A_543 : vector<1x1x16xf32> to vector<16xf32>
        %swap3A_545 = vector.shape_cast %mul3A_538 : vector<16xf32> to vector<1x1x16xf32>
        tpu.vector_store %arg7[%swap3A_540, %swap3A_541, %swap3A_542], %swap3A_545 {strides = array<i32>} : memref<4x100x64xf32, #tpu.memory_space<vmem>>, vector<1x1x16xf32>,
      }
      %scan3A_332 = arith.constant 100 : i32
      %jit3A_333 = arith.constant 2 : i32
      %div3A_334 = arith.divsi %add3A_304, %jit3A_333 : i32
      %sign3A_335 = arith.constant 0 : i32
      %sign3A_336 = arith.cmpi sgt, %add3A_304, %sign3A_335 : i32
      %sign3A_337 = arith.extui %sign3A_336 : i1 to i32
      %sign3A_338 = arith.constant 0 : i32
      %sign3A_339 = arith.cmpi slt, %add3A_304, %sign3A_338 : i32
      %sign3A_340 = arith.extui %sign3A_339 : i1 to i32
      %sign3A_341 = arith.subi %sign3A_337, %sign3A_340 : i32
      %sign3A_342 = arith.constant 0 : i32
      %sign3A_343 = arith.cmpi sgt, %jit3A_333, %sign3A_342 : i32
      %sign3A_344 = arith.extui %sign3A_343 : i1 to i32
      %sign3A_345 = arith.constant 0 : i32
      %sign3A_346 = arith.cmpi slt, %jit3A_333, %sign3A_345 : i32
      %sign3A_347 = arith.extui %sign3A_346 : i1 to i32
      %sign3A_348 = arith.subi %sign3A_344, %sign3A_347 : i32
      %ne3A_349 = arith.cmpi ne, %sign3A_341, %sign3A_348 : i32
      %rem3A_350 = arith.remsi %add3A_304, %jit3A_333 : i32
      %ne3A_351 = arith.constant 0 : i32
      %ne3A_352 = arith.cmpi ne, %rem3A_350, %ne3A_351 : i32
      %and3A_353 = arith.andi %ne3A_349, %ne3A_352 : i1
      %sub3A_354 = arith.constant 1 : i32
      %sub3A_355 = arith.subi %div3A_334, %sub3A_354 : i32
      %select_n3A_356 = arith.select %and3A_353, %sub3A_355, %div3A_334 : i32
      %add3A_357 = arith.addi %mul3A_2, %select_n3A_356 : i32
      %jit3A_358 = arith.constant 2 : i32
      %eq3A_359 = arith.constant 0 : i32
      %eq3A_360 = arith.cmpi eq, %jit3A_358, %eq3A_359 : i32
      %jit3A_361 = arith.constant 1 : i32
      %select_n3A_362 = arith.select %eq3A_360, %jit3A_361, %jit3A_358 : i32
      %rem3A_363 = arith.remsi %add3A_304, %select_n3A_362 : i32
      %ne3A_364 = arith.constant 0 : i32
      %ne3A_365 = arith.cmpi ne, %rem3A_363, %ne3A_364 : i32
      %lt3A_366 = arith.constant 0 : i32
      %lt3A_367 = arith.cmpi slt, %rem3A_363, %lt3A_366 : i32
      %lt3A_368 = arith.constant 0 : i32
      %lt3A_369 = arith.cmpi slt, %select_n3A_362, %lt3A_368 : i32
      %ne3A_370 = arith.xori %lt3A_367, %lt3A_369 : i1
      %and3A_371 = arith.andi %ne3A_370, %ne3A_365 : i1
      %add3A_372 = arith.addi %rem3A_363, %select_n3A_362 : i32
      %select_n3A_373 = arith.select %and3A_371, %add3A_372, %rem3A_363 : i32
      %mul3A_374 = arith.constant 100 : i32
      %mul3A_375 = arith.muli %select_n3A_373, %mul3A_374 : i32
      %dma_start3A_376 = arith.constant 2 : i32
      %dma_start3A_377 = arith.constant 0 : i32
      %dma_start3A_378 = arith.constant 0 : i32
      %dma_start3A_379 = tpu.memref_slice %arg7[%dma_start3A_376, %dma_start3A_377, %dma_start3A_378] : memref<4x100x64xf32, #tpu.memory_space<vmem>> -> memref<1x100x64xf32, #tpu.memory_space<vmem>>
      %dma_start3A_380 = tpu.memref_squeeze %dma_start3A_379 : memref<1x100x64xf32, #tpu.memory_space<vmem>> -> memref<100x64xf32, #tpu.memory_space<vmem>>
      %dma_start3A_381 = arith.constant 0 : i32
      %dma_start3A_382 = tpu.memref_slice %arg4[%add3A_357, %mul3A_375, %dma_start3A_381] : memref<4096x200x64xf32, #tpu.memory_space<hbm>> -> memref<1x100x64xf32, #tpu.memory_space<hbm>>
      %dma_start3A_383 = tpu.memref_squeeze %dma_start3A_382 : memref<1x100x64xf32, #tpu.memory_space<hbm>> -> memref<100x64xf32, #tpu.memory_space<hbm>>
      %dma_start3A_384 = arith.constant 0 : i32
      %dma_start3A_385 = tpu.memref_slice %arg4[%add3A_357, %mul3A_375, %dma_start3A_384] : memref<4096x200x64xf32, #tpu.memory_space<hbm>> -> memref<1x100x64xf32, #tpu.memory_space<hbm>>
      %dma_start3A_386 = tpu.memref_squeeze %dma_start3A_385 : memref<1x100x64xf32, #tpu.memory_space<hbm>> -> memref<100x64xf32, #tpu.memory_space<hbm>>
      %dma_start3A_387 = arith.constant 0 : i32
      %dma_start3A_388 = arith.constant 0 : i32
      %dma_start3A_389 = tpu.memref_slice %arg7[%dma_start3A_376, %dma_start3A_387, %dma_start3A_388] : memref<4x100x64xf32, #tpu.memory_space<vmem>> -> memref<1x100x64xf32, #tpu.memory_space<vmem>>
      %dma_start3A_390 = tpu.memref_squeeze %dma_start3A_389 : memref<1x100x64xf32, #tpu.memory_space<vmem>> -> memref<100x64xf32, #tpu.memory_space<vmem>>
      tpu.enqueue_dma source(%dma_start3A_390 : memref<100x64xf32, #tpu.memory_space<vmem>>) target(%dma_start3A_386 : memref<100x64xf32, #tpu.memory_space<hbm>>) target_semaphore(%arg18 : memref<!tpu.dma_semaphore, #tpu.memory_space<semaphore_mem>>)
      %add3A_391 = arith.constant 3 : i32
      %add3A_392 = arith.addi %mul3A_139, %add3A_391 : i32
      %sub3A_393 = arith.constant 1 : i32
      %sub3A_394 = arith.subi %add3A_392, %sub3A_393 : i32
      %add3A_395 = arith.constant 4 : i32
      %add3A_396 = arith.addi %sub3A_394, %add3A_395 : i32
      %ge3A_397 = arith.constant 0 : i32
      %ge3A_398 = arith.cmpi sge, %sub3A_394, %ge3A_397 : i32
      %lt3A_399 = arith.constant 256 : i32
      %lt3A_400 = arith.cmpi slt, %add3A_396, %lt3A_399 : i32
      %and3A_401 = arith.andi %ge3A_398, %lt3A_400 : i1
      %convert_element_type3A_402 = arith.extui %and3A_401 : i1 to i32
      %cond3A_403 = arith.constant 0 : i32
      %cond3A_404 = arith.cmpi ne, %convert_element_type3A_402, %cond3A_403 : i32
      scf.if %cond3A_404 {
        %jit3A_479 = arith.constant 2 : i32
        %div3A_480 = arith.divsi %sub3A_394, %jit3A_479 : i32
        %sign3A_481 = arith.constant 0 : i32
        %sign3A_482 = arith.cmpi sgt, %sub3A_394, %sign3A_481 : i32
        %sign3A_483 = arith.extui %sign3A_482 : i1 to i32
        %sign3A_484 = arith.constant 0 : i32
        %sign3A_485 = arith.cmpi slt, %sub3A_394, %sign3A_484 : i32
        %sign3A_486 = arith.extui %sign3A_485 : i1 to i32
        %sign3A_487 = arith.subi %sign3A_483, %sign3A_486 : i32
        %sign3A_488 = arith.constant 0 : i32
        %sign3A_489 = arith.cmpi sgt, %jit3A_479, %sign3A_488 : i32
        %sign3A_490 = arith.extui %sign3A_489 : i1 to i32
        %sign3A_491 = arith.constant 0 : i32
        %sign3A_492 = arith.cmpi slt, %jit3A_479, %sign3A_491 : i32
        %sign3A_493 = arith.extui %sign3A_492 : i1 to i32
        %sign3A_494 = arith.subi %sign3A_490, %sign3A_493 : i32
        %ne3A_495 = arith.cmpi ne, %sign3A_487, %sign3A_494 : i32
        %rem3A_496 = arith.remsi %sub3A_394, %jit3A_479 : i32
        %ne3A_497 = arith.constant 0 : i32
        %ne3A_498 = arith.cmpi ne, %rem3A_496, %ne3A_497 : i32
        %and3A_499 = arith.andi %ne3A_495, %ne3A_498 : i1
        %sub3A_500 = arith.constant 1 : i32
        %sub3A_501 = arith.subi %div3A_480, %sub3A_500 : i32
        %select_n3A_502 = arith.select %and3A_499, %sub3A_501, %div3A_480 : i32
        %add3A_503 = arith.addi %mul3A_2, %select_n3A_502 : i32
        %jit3A_504 = arith.constant 2 : i32
        %eq3A_505 = arith.constant 0 : i32
        %eq3A_506 = arith.cmpi eq, %jit3A_504, %eq3A_505 : i32
        %jit3A_507 = arith.constant 1 : i32
        %select_n3A_508 = arith.select %eq3A_506, %jit3A_507, %jit3A_504 : i32
        %rem3A_509 = arith.remsi %sub3A_394, %select_n3A_508 : i32
        %ne3A_510 = arith.constant 0 : i32
        %ne3A_511 = arith.cmpi ne, %rem3A_509, %ne3A_510 : i32
        %lt3A_512 = arith.constant 0 : i32
        %lt3A_513 = arith.cmpi slt, %rem3A_509, %lt3A_512 : i32
        %lt3A_514 = arith.constant 0 : i32
        %lt3A_515 = arith.cmpi slt, %select_n3A_508, %lt3A_514 : i32
        %ne3A_516 = arith.xori %lt3A_513, %lt3A_515 : i1
        %and3A_517 = arith.andi %ne3A_516, %ne3A_511 : i1
        %add3A_518 = arith.addi %rem3A_509, %select_n3A_508 : i32
        %select_n3A_519 = arith.select %and3A_517, %add3A_518, %rem3A_509 : i32
        %mul3A_520 = arith.constant 100 : i32
        %mul3A_521 = arith.muli %select_n3A_519, %mul3A_520 : i32
        %dma_wait3A_522 = arith.constant 2 : i32
        %dma_wait3A_523 = arith.constant 0 : i32
        %dma_wait3A_524 = arith.constant 0 : i32
        %dma_wait3A_525 = tpu.memref_slice %arg7[%dma_wait3A_522, %dma_wait3A_523, %dma_wait3A_524] : memref<4x100x64xf32, #tpu.memory_space<vmem>> -> memref<1x100x64xf32, #tpu.memory_space<vmem>>
        %dma_wait3A_526 = tpu.memref_squeeze %dma_wait3A_525 : memref<1x100x64xf32, #tpu.memory_space<vmem>> -> memref<100x64xf32, #tpu.memory_space<vmem>>
        %dma_wait3A_527 = arith.constant 0 : i32
        %dma_wait3A_528 = tpu.memref_slice %arg4[%add3A_503, %mul3A_521, %dma_wait3A_527] : memref<4096x200x64xf32, #tpu.memory_space<hbm>> -> memref<1x100x64xf32, #tpu.memory_space<hbm>>
        %dma_wait3A_529 = tpu.memref_squeeze %dma_wait3A_528 : memref<1x100x64xf32, #tpu.memory_space<hbm>> -> memref<100x64xf32, #tpu.memory_space<hbm>>
        %dma_wait3A_530 = arith.constant 0 : i32
        %dma_wait3A_531 = tpu.memref_slice %arg4[%add3A_503, %mul3A_521, %dma_wait3A_530] : memref<4096x200x64xf32, #tpu.memory_space<hbm>> -> memref<1x100x64xf32, #tpu.memory_space<hbm>>
        %dma_wait3A_532 = tpu.memref_squeeze %dma_wait3A_531 : memref<1x100x64xf32, #tpu.memory_space<hbm>> -> memref<100x64xf32, #tpu.memory_space<hbm>>
        %dma_wait3A_533 = arith.constant 0 : i32
        %dma_wait3A_534 = arith.constant 0 : i32
        %dma_wait3A_535 = tpu.memref_slice %arg7[%dma_wait3A_522, %dma_wait3A_533, %dma_wait3A_534] : memref<4x100x64xf32, #tpu.memory_space<vmem>> -> memref<1x100x64xf32, #tpu.memory_space<vmem>>
        %dma_wait3A_536 = tpu.memref_squeeze %dma_wait3A_535 : memref<1x100x64xf32, #tpu.memory_space<vmem>> -> memref<100x64xf32, #tpu.memory_space<vmem>>
        tpu.wait_dma2 semaphore(%arg18 : memref<!tpu.dma_semaphore, #tpu.memory_space<semaphore_mem>>) src(%dma_wait3A_536 : memref<100x64xf32, #tpu.memory_space<vmem>>) dst(%dma_wait3A_532 : memref<100x64xf32, #tpu.memory_space<hbm>>)
        %dma_start3A_537 = arith.constant 2 : i32
        %dma_start3A_538 = arith.constant 0 : i32
        %dma_start3A_539 = arith.constant 0 : i32
        %dma_start3A_540 = tpu.memref_slice %arg6[%dma_start3A_537, %dma_start3A_538, %dma_start3A_539] : memref<4x100x128xf32, #tpu.memory_space<vmem>> -> memref<1x100x128xf32, #tpu.memory_space<vmem>>
        %dma_start3A_541 = tpu.memref_squeeze %dma_start3A_540 : memref<1x100x128xf32, #tpu.memory_space<vmem>> -> memref<100x128xf32, #tpu.memory_space<vmem>>
        %dma_start3A_542 = arith.constant 0 : i32
        %dma_start3A_543 = tpu.memref_slice %arg5[%add3A_396, %dma_start3A_542] : memref<256x100xi32, #tpu.memory_space<vmem>> -> memref<1x100xi32, #tpu.memory_space<vmem>>
        %dma_start3A_544 = tpu.memref_squeeze %dma_start3A_543 : memref<1x100xi32, #tpu.memory_space<vmem>> -> memref<100xi32, #tpu.memory_space<vmem>>
        %dma_start3A_545 = arith.constant 0 : i32
        %dma_start3A_546 = arith.constant 0 : i32
        %dma_start3A_547 = tpu.memref_slice %arg3[%dma_start3A_545, %dma_start3A_546] : memref<1000000x128xf32, #tpu.memory_space<hbm>> -> memref<1000000x128xf32, #tpu.memory_space<hbm>>
        tpu.enqueue_indirect_dma source(%dma_start3A_547 : memref<1000000x128xf32, #tpu.memory_space<hbm>>) target(%dma_start3A_541 : memref<100x128xf32, #tpu.memory_space<vmem>>) offsets(%dma_start3A_544 : memref<100xi32, #tpu.memory_space<vmem>>) semaphore(%arg10 : memref<!tpu.dma_semaphore, #tpu.memory_space<semaphore_mem>>)
      } else {
      }
      %dma_wait3A_405 = arith.constant 3 : i32
      %dma_wait3A_406 = arith.constant 0 : i32
      %dma_wait3A_407 = arith.constant 0 : i32
      %dma_wait3A_408 = tpu.memref_slice %arg6[%dma_wait3A_405, %dma_wait3A_406, %dma_wait3A_407] : memref<4x100x128xf32, #tpu.memory_space<vmem>> -> memref<1x100x128xf32, #tpu.memory_space<vmem>>
      %dma_wait3A_409 = tpu.memref_squeeze %dma_wait3A_408 : memref<1x100x128xf32, #tpu.memory_space<vmem>> -> memref<100x128xf32, #tpu.memory_space<vmem>>
      %dma_wait3A_410 = arith.constant 0 : i32
      %dma_wait3A_411 = tpu.memref_slice %arg5[%add3A_392, %dma_wait3A_410] : memref<256x100xi32, #tpu.memory_space<vmem>> -> memref<1x100xi32, #tpu.memory_space<vmem>>
      %dma_wait3A_412 = tpu.memref_squeeze %dma_wait3A_411 : memref<1x100xi32, #tpu.memory_space<vmem>> -> memref<100xi32, #tpu.memory_space<vmem>>
      %dma_wait3A_413 = arith.constant 0 : i32
      %dma_wait3A_414 = arith.constant 0 : i32
      %dma_wait3A_415 = tpu.memref_slice %arg3[%dma_wait3A_413, %dma_wait3A_414] : memref<1000000x128xf32, #tpu.memory_space<hbm>> -> memref<1000000x128xf32, #tpu.memory_space<hbm>>
      tpu.wait_indirect_dma semaphore(%arg11 : memref<!tpu.dma_semaphore, #tpu.memory_space<semaphore_mem>>) src(%dma_wait3A_415 : memref<1000000x128xf32, #tpu.memory_space<hbm>>) dst(%dma_wait3A_409 : memref<100x128xf32, #tpu.memory_space<vmem>>)
      %scan3A_416 = arith.constant 0 : i32
      %scan3A_417 = arith.constant 100 : i32
      %scan3A_418 = arith.addi %scan3A_416, %scan3A_417 : i32
      %scan3A_419 = arith.constant 1 : i32
      scf.for %scan3A_479 = %scan3A_416 to %scan3A_418 step %scan3A_419  : i32 {
        %mul3A_480 = arith.constant 1 : i32
        %mul3A_481 = arith.muli %scan3A_479, %mul3A_480 : i32
        %add3A_482 = arith.constant 0 : i32
        %add3A_483 = arith.addi %add3A_482, %mul3A_481 : i32
        %get3A = arith.constant 3 : i32
        %get3A_484 = arith.index_cast %get3A : i32 to index
        %get3A_485 = arith.index_cast %add3A_483 : i32 to index
        %get3A_486 = arith.constant 0 : index
        %get3A_487 = tpu.vector_load %arg6[%get3A_484, %get3A_485, %get3A_486] {strides = array<i32>} : memref<4x100x128xf32, #tpu.memory_space<vmem>>, vector<1x1x16xf32>,
        %get3A_488 = vector.shape_cast %get3A_487 : vector<1x1x16xf32> to vector<16xf32>
        %mul3A_489 = arith.constant 8.000000e+00 : f32
        %mul3A_490 = vector.broadcast %mul3A_489 : f32 to vector<16xf32>
        %mul3A_491 = arith.mulf %get3A_488, %mul3A_490 : vector<16xf32>
        %swap3A = arith.constant 3 : i32
        %swap3A_492 = arith.index_cast %swap3A : i32 to index
        %swap3A_493 = arith.index_cast %add3A_483 : i32 to index
        %swap3A_494 = arith.constant 0 : index
        %swap3A_495 = tpu.vector_load %arg7[%swap3A_492, %swap3A_493, %swap3A_494] {strides = array<i32>} : memref<4x100x64xf32, #tpu.memory_space<vmem>>, vector<1x1x16xf32>,
        %swap3A_496 = vector.shape_cast %swap3A_495 : vector<1x1x16xf32> to vector<16xf32>
        %swap3A_497 = vector.shape_cast %mul3A_491 : vector<16xf32> to vector<1x1x16xf32>
        tpu.vector_store %arg7[%swap3A_492, %swap3A_493, %swap3A_494], %swap3A_497 {strides = array<i32>} : memref<4x100x64xf32, #tpu.memory_space<vmem>>, vector<1x1x16xf32>,
        %get3A_498 = arith.constant 3 : i32
        %get3A_499 = arith.index_cast %get3A_498 : i32 to index
        %get3A_500 = arith.index_cast %add3A_483 : i32 to index
        %get3A_501 = arith.constant 16 : index
        %get3A_502 = tpu.vector_load %arg6[%get3A_499, %get3A_500, %get3A_501] {strides = array<i32>} : memref<4x100x128xf32, #tpu.memory_space<vmem>>, vector<1x1x16xf32>,
        %get3A_503 = vector.shape_cast %get3A_502 : vector<1x1x16xf32> to vector<16xf32>
        %mul3A_504 = arith.constant 8.000000e+00 : f32
        %mul3A_505 = vector.broadcast %mul3A_504 : f32 to vector<16xf32>
        %mul3A_506 = arith.mulf %get3A_503, %mul3A_505 : vector<16xf32>
        %swap3A_507 = arith.constant 3 : i32
        %swap3A_508 = arith.index_cast %swap3A_507 : i32 to index
        %swap3A_509 = arith.index_cast %add3A_483 : i32 to index
        %swap3A_510 = arith.constant 16 : index
        %swap3A_511 = tpu.vector_load %arg7[%swap3A_508, %swap3A_509, %swap3A_510] {strides = array<i32>} : memref<4x100x64xf32, #tpu.memory_space<vmem>>, vector<1x1x16xf32>,
        %swap3A_512 = vector.shape_cast %swap3A_511 : vector<1x1x16xf32> to vector<16xf32>
        %swap3A_513 = vector.shape_cast %mul3A_506 : vector<16xf32> to vector<1x1x16xf32>
        tpu.vector_store %arg7[%swap3A_508, %swap3A_509, %swap3A_510], %swap3A_513 {strides = array<i32>} : memref<4x100x64xf32, #tpu.memory_space<vmem>>, vector<1x1x16xf32>,
        %get3A_514 = arith.constant 3 : i32
        %get3A_515 = arith.index_cast %get3A_514 : i32 to index
        %get3A_516 = arith.index_cast %add3A_483 : i32 to index
        %get3A_517 = arith.constant 32 : index
        %get3A_518 = tpu.vector_load %arg6[%get3A_515, %get3A_516, %get3A_517] {strides = array<i32>} : memref<4x100x128xf32, #tpu.memory_space<vmem>>, vector<1x1x16xf32>,
        %get3A_519 = vector.shape_cast %get3A_518 : vector<1x1x16xf32> to vector<16xf32>
        %mul3A_520 = arith.constant 8.000000e+00 : f32
        %mul3A_521 = vector.broadcast %mul3A_520 : f32 to vector<16xf32>
        %mul3A_522 = arith.mulf %get3A_519, %mul3A_521 : vector<16xf32>
        %swap3A_523 = arith.constant 3 : i32
        %swap3A_524 = arith.index_cast %swap3A_523 : i32 to index
        %swap3A_525 = arith.index_cast %add3A_483 : i32 to index
        %swap3A_526 = arith.constant 32 : index
        %swap3A_527 = tpu.vector_load %arg7[%swap3A_524, %swap3A_525, %swap3A_526] {strides = array<i32>} : memref<4x100x64xf32, #tpu.memory_space<vmem>>, vector<1x1x16xf32>,
        %swap3A_528 = vector.shape_cast %swap3A_527 : vector<1x1x16xf32> to vector<16xf32>
        %swap3A_529 = vector.shape_cast %mul3A_522 : vector<16xf32> to vector<1x1x16xf32>
        tpu.vector_store %arg7[%swap3A_524, %swap3A_525, %swap3A_526], %swap3A_529 {strides = array<i32>} : memref<4x100x64xf32, #tpu.memory_space<vmem>>, vector<1x1x16xf32>,
        %get3A_530 = arith.constant 3 : i32
        %get3A_531 = arith.index_cast %get3A_530 : i32 to index
        %get3A_532 = arith.index_cast %add3A_483 : i32 to index
        %get3A_533 = arith.constant 48 : index
        %get3A_534 = tpu.vector_load %arg6[%get3A_531, %get3A_532, %get3A_533] {strides = array<i32>} : memref<4x100x128xf32, #tpu.memory_space<vmem>>, vector<1x1x16xf32>,
        %get3A_535 = vector.shape_cast %get3A_534 : vector<1x1x16xf32> to vector<16xf32>
        %mul3A_536 = arith.constant 8.000000e+00 : f32
        %mul3A_537 = vector.broadcast %mul3A_536 : f32 to vector<16xf32>
        %mul3A_538 = arith.mulf %get3A_535, %mul3A_537 : vector<16xf32>
        %swap3A_539 = arith.constant 3 : i32
        %swap3A_540 = arith.index_cast %swap3A_539 : i32 to index
        %swap3A_541 = arith.index_cast %add3A_483 : i32 to index
        %swap3A_542 = arith.constant 48 : index
        %swap3A_543 = tpu.vector_load %arg7[%swap3A_540, %swap3A_541, %swap3A_542] {strides = array<i32>} : memref<4x100x64xf32, #tpu.memory_space<vmem>>, vector<1x1x16xf32>,
        %swap3A_544 = vector.shape_cast %swap3A_543 : vector<1x1x16xf32> to vector<16xf32>
        %swap3A_545 = vector.shape_cast %mul3A_538 : vector<16xf32> to vector<1x1x16xf32>
        tpu.vector_store %arg7[%swap3A_540, %swap3A_541, %swap3A_542], %swap3A_545 {strides = array<i32>} : memref<4x100x64xf32, #tpu.memory_space<vmem>>, vector<1x1x16xf32>,
      }
      %scan3A_420 = arith.constant 100 : i32
      %jit3A_421 = arith.constant 2 : i32
      %div3A_422 = arith.divsi %add3A_392, %jit3A_421 : i32
      %sign3A_423 = arith.constant 0 : i32
      %sign3A_424 = arith.cmpi sgt, %add3A_392, %sign3A_423 : i32
      %sign3A_425 = arith.extui %sign3A_424 : i1 to i32
      %sign3A_426 = arith.constant 0 : i32
      %sign3A_427 = arith.cmpi slt, %add3A_392, %sign3A_426 : i32
      %sign3A_428 = arith.extui %sign3A_427 : i1 to i32
      %sign3A_429 = arith.subi %sign3A_425, %sign3A_428 : i32
      %sign3A_430 = arith.constant 0 : i32
      %sign3A_431 = arith.cmpi sgt, %jit3A_421, %sign3A_430 : i32
      %sign3A_432 = arith.extui %sign3A_431 : i1 to i32
      %sign3A_433 = arith.constant 0 : i32
      %sign3A_434 = arith.cmpi slt, %jit3A_421, %sign3A_433 : i32
      %sign3A_435 = arith.extui %sign3A_434 : i1 to i32
      %sign3A_436 = arith.subi %sign3A_432, %sign3A_435 : i32
      %ne3A_437 = arith.cmpi ne, %sign3A_429, %sign3A_436 : i32
      %rem3A_438 = arith.remsi %add3A_392, %jit3A_421 : i32
      %ne3A_439 = arith.constant 0 : i32
      %ne3A_440 = arith.cmpi ne, %rem3A_438, %ne3A_439 : i32
      %and3A_441 = arith.andi %ne3A_437, %ne3A_440 : i1
      %sub3A_442 = arith.constant 1 : i32
      %sub3A_443 = arith.subi %div3A_422, %sub3A_442 : i32
      %select_n3A_444 = arith.select %and3A_441, %sub3A_443, %div3A_422 : i32
      %add3A_445 = arith.addi %mul3A_2, %select_n3A_444 : i32
      %jit3A_446 = arith.constant 2 : i32
      %eq3A_447 = arith.constant 0 : i32
      %eq3A_448 = arith.cmpi eq, %jit3A_446, %eq3A_447 : i32
      %jit3A_449 = arith.constant 1 : i32
      %select_n3A_450 = arith.select %eq3A_448, %jit3A_449, %jit3A_446 : i32
      %rem3A_451 = arith.remsi %add3A_392, %select_n3A_450 : i32
      %ne3A_452 = arith.constant 0 : i32
      %ne3A_453 = arith.cmpi ne, %rem3A_451, %ne3A_452 : i32
      %lt3A_454 = arith.constant 0 : i32
      %lt3A_455 = arith.cmpi slt, %rem3A_451, %lt3A_454 : i32
      %lt3A_456 = arith.constant 0 : i32
      %lt3A_457 = arith.cmpi slt, %select_n3A_450, %lt3A_456 : i32
      %ne3A_458 = arith.xori %lt3A_455, %lt3A_457 : i1
      %and3A_459 = arith.andi %ne3A_458, %ne3A_453 : i1
      %add3A_460 = arith.addi %rem3A_451, %select_n3A_450 : i32
      %select_n3A_461 = arith.select %and3A_459, %add3A_460, %rem3A_451 : i32
      %mul3A_462 = arith.constant 100 : i32
      %mul3A_463 = arith.muli %select_n3A_461, %mul3A_462 : i32
      %dma_start3A_464 = arith.constant 3 : i32
      %dma_start3A_465 = arith.constant 0 : i32
      %dma_start3A_466 = arith.constant 0 : i32
      %dma_start3A_467 = tpu.memref_slice %arg7[%dma_start3A_464, %dma_start3A_465, %dma_start3A_466] : memref<4x100x64xf32, #tpu.memory_space<vmem>> -> memref<1x100x64xf32, #tpu.memory_space<vmem>>
      %dma_start3A_468 = tpu.memref_squeeze %dma_start3A_467 : memref<1x100x64xf32, #tpu.memory_space<vmem>> -> memref<100x64xf32, #tpu.memory_space<vmem>>
      %dma_start3A_469 = arith.constant 0 : i32
      %dma_start3A_470 = tpu.memref_slice %arg4[%add3A_445, %mul3A_463, %dma_start3A_469] : memref<4096x200x64xf32, #tpu.memory_space<hbm>> -> memref<1x100x64xf32, #tpu.memory_space<hbm>>
      %dma_start3A_471 = tpu.memref_squeeze %dma_start3A_470 : memref<1x100x64xf32, #tpu.memory_space<hbm>> -> memref<100x64xf32, #tpu.memory_space<hbm>>
      %dma_start3A_472 = arith.constant 0 : i32
      %dma_start3A_473 = tpu.memref_slice %arg4[%add3A_445, %mul3A_463, %dma_start3A_472] : memref<4096x200x64xf32, #tpu.memory_space<hbm>> -> memref<1x100x64xf32, #tpu.memory_space<hbm>>
      %dma_start3A_474 = tpu.memref_squeeze %dma_start3A_473 : memref<1x100x64xf32, #tpu.memory_space<hbm>> -> memref<100x64xf32, #tpu.memory_space<hbm>>
      %dma_start3A_475 = arith.constant 0 : i32
      %dma_start3A_476 = arith.constant 0 : i32
      %dma_start3A_477 = tpu.memref_slice %arg7[%dma_start3A_464, %dma_start3A_475, %dma_start3A_476] : memref<4x100x64xf32, #tpu.memory_space<vmem>> -> memref<1x100x64xf32, #tpu.memory_space<vmem>>
      %dma_start3A_478 = tpu.memref_squeeze %dma_start3A_477 : memref<1x100x64xf32, #tpu.memory_space<vmem>> -> memref<100x64xf32, #tpu.memory_space<vmem>>
      tpu.enqueue_dma source(%dma_start3A_478 : memref<100x64xf32, #tpu.memory_space<vmem>>) target(%dma_start3A_474 : memref<100x64xf32, #tpu.memory_space<hbm>>) target_semaphore(%arg19 : memref<!tpu.dma_semaphore, #tpu.memory_space<semaphore_mem>>)
    }
    %scan3A_57 = arith.constant 64 : i32
    %add3A_58 = arith.constant 126 : i32
    %add3A_59 = arith.addi %mul3A_2, %add3A_58 : i32
    %dma_wait3A = arith.constant 0 : i32
    %dma_wait3A_60 = arith.constant 0 : i32
    %dma_wait3A_61 = arith.constant 0 : i32
    %dma_wait3A_62 = tpu.memref_slice %arg7[%dma_wait3A, %dma_wait3A_60, %dma_wait3A_61] : memref<4x100x64xf32, #tpu.memory_space<vmem>> -> memref<1x100x64xf32, #tpu.memory_space<vmem>>
    %dma_wait3A_63 = tpu.memref_squeeze %dma_wait3A_62 : memref<1x100x64xf32, #tpu.memory_space<vmem>> -> memref<100x64xf32, #tpu.memory_space<vmem>>
    %dma_wait3A_64 = arith.constant 0 : i32
    %dma_wait3A_65 = arith.constant 0 : i32
    %dma_wait3A_66 = tpu.memref_slice %arg4[%add3A_59, %dma_wait3A_64, %dma_wait3A_65] : memref<4096x200x64xf32, #tpu.memory_space<hbm>> -> memref<1x100x64xf32, #tpu.memory_space<hbm>>
    %dma_wait3A_67 = tpu.memref_squeeze %dma_wait3A_66 : memref<1x100x64xf32, #tpu.memory_space<hbm>> -> memref<100x64xf32, #tpu.memory_space<hbm>>
    %dma_wait3A_68 = arith.constant 0 : i32
    %dma_wait3A_69 = arith.constant 0 : i32
    %dma_wait3A_70 = tpu.memref_slice %arg4[%add3A_59, %dma_wait3A_68, %dma_wait3A_69] : memref<4096x200x64xf32, #tpu.memory_space<hbm>> -> memref<1x100x64xf32, #tpu.memory_space<hbm>>
    %dma_wait3A_71 = tpu.memref_squeeze %dma_wait3A_70 : memref<1x100x64xf32, #tpu.memory_space<hbm>> -> memref<100x64xf32, #tpu.memory_space<hbm>>
    %dma_wait3A_72 = arith.constant 0 : i32
    %dma_wait3A_73 = arith.constant 0 : i32
    %dma_wait3A_74 = tpu.memref_slice %arg7[%dma_wait3A, %dma_wait3A_72, %dma_wait3A_73] : memref<4x100x64xf32, #tpu.memory_space<vmem>> -> memref<1x100x64xf32, #tpu.memory_space<vmem>>
    %dma_wait3A_75 = tpu.memref_squeeze %dma_wait3A_74 : memref<1x100x64xf32, #tpu.memory_space<vmem>> -> memref<100x64xf32, #tpu.memory_space<vmem>>
    tpu.wait_dma2 semaphore(%arg16 : memref<!tpu.dma_semaphore, #tpu.memory_space<semaphore_mem>>) src(%dma_wait3A_75 : memref<100x64xf32, #tpu.memory_space<vmem>>) dst(%dma_wait3A_71 : memref<100x64xf32, #tpu.memory_space<hbm>>)
    %add3A_76 = arith.constant 126 : i32
    %add3A_77 = arith.addi %mul3A_2, %add3A_76 : i32
    %dma_wait3A_78 = arith.constant 1 : i32
    %dma_wait3A_79 = arith.constant 0 : i32
    %dma_wait3A_80 = arith.constant 0 : i32
    %dma_wait3A_81 = tpu.memref_slice %arg7[%dma_wait3A_78, %dma_wait3A_79, %dma_wait3A_80] : memref<4x100x64xf32, #tpu.memory_space<vmem>> -> memref<1x100x64xf32, #tpu.memory_space<vmem>>
    %dma_wait3A_82 = tpu.memref_squeeze %dma_wait3A_81 : memref<1x100x64xf32, #tpu.memory_space<vmem>> -> memref<100x64xf32, #tpu.memory_space<vmem>>
    %dma_wait3A_83 = arith.constant 100 : i32
    %dma_wait3A_84 = arith.constant 0 : i32
    %dma_wait3A_85 = tpu.memref_slice %arg4[%add3A_77, %dma_wait3A_83, %dma_wait3A_84] : memref<4096x200x64xf32, #tpu.memory_space<hbm>> -> memref<1x100x64xf32, #tpu.memory_space<hbm>>
    %dma_wait3A_86 = tpu.memref_squeeze %dma_wait3A_85 : memref<1x100x64xf32, #tpu.memory_space<hbm>> -> memref<100x64xf32, #tpu.memory_space<hbm>>
    %dma_wait3A_87 = arith.constant 100 : i32
    %dma_wait3A_88 = arith.constant 0 : i32
    %dma_wait3A_89 = tpu.memref_slice %arg4[%add3A_77, %dma_wait3A_87, %dma_wait3A_88] : memref<4096x200x64xf32, #tpu.memory_space<hbm>> -> memref<1x100x64xf32, #tpu.memory_space<hbm>>
    %dma_wait3A_90 = tpu.memref_squeeze %dma_wait3A_89 : memref<1x100x64xf32, #tpu.memory_space<hbm>> -> memref<100x64xf32, #tpu.memory_space<hbm>>
    %dma_wait3A_91 = arith.constant 0 : i32
    %dma_wait3A_92 = arith.constant 0 : i32
    %dma_wait3A_93 = tpu.memref_slice %arg7[%dma_wait3A_78, %dma_wait3A_91, %dma_wait3A_92] : memref<4x100x64xf32, #tpu.memory_space<vmem>> -> memref<1x100x64xf32, #tpu.memory_space<vmem>>
    %dma_wait3A_94 = tpu.memref_squeeze %dma_wait3A_93 : memref<1x100x64xf32, #tpu.memory_space<vmem>> -> memref<100x64xf32, #tpu.memory_space<vmem>>
    tpu.wait_dma2 semaphore(%arg17 : memref<!tpu.dma_semaphore, #tpu.memory_space<semaphore_mem>>) src(%dma_wait3A_94 : memref<100x64xf32, #tpu.memory_space<vmem>>) dst(%dma_wait3A_90 : memref<100x64xf32, #tpu.memory_space<hbm>>)
    %add3A_95 = arith.constant 127 : i32
    %add3A_96 = arith.addi %mul3A_2, %add3A_95 : i32
    %dma_wait3A_97 = arith.constant 2 : i32
    %dma_wait3A_98 = arith.constant 0 : i32
    %dma_wait3A_99 = arith.constant 0 : i32
    %dma_wait3A_100 = tpu.memref_slice %arg7[%dma_wait3A_97, %dma_wait3A_98, %dma_wait3A_99] : memref<4x100x64xf32, #tpu.memory_space<vmem>> -> memref<1x100x64xf32, #tpu.memory_space<vmem>>
    %dma_wait3A_101 = tpu.memref_squeeze %dma_wait3A_100 : memref<1x100x64xf32, #tpu.memory_space<vmem>> -> memref<100x64xf32, #tpu.memory_space<vmem>>
    %dma_wait3A_102 = arith.constant 0 : i32
    %dma_wait3A_103 = arith.constant 0 : i32
    %dma_wait3A_104 = tpu.memref_slice %arg4[%add3A_96, %dma_wait3A_102, %dma_wait3A_103] : memref<4096x200x64xf32, #tpu.memory_space<hbm>> -> memref<1x100x64xf32, #tpu.memory_space<hbm>>
    %dma_wait3A_105 = tpu.memref_squeeze %dma_wait3A_104 : memref<1x100x64xf32, #tpu.memory_space<hbm>> -> memref<100x64xf32, #tpu.memory_space<hbm>>
    %dma_wait3A_106 = arith.constant 0 : i32
    %dma_wait3A_107 = arith.constant 0 : i32
    %dma_wait3A_108 = tpu.memref_slice %arg4[%add3A_96, %dma_wait3A_106, %dma_wait3A_107] : memref<4096x200x64xf32, #tpu.memory_space<hbm>> -> memref<1x100x64xf32, #tpu.memory_space<hbm>>
    %dma_wait3A_109 = tpu.memref_squeeze %dma_wait3A_108 : memref<1x100x64xf32, #tpu.memory_space<hbm>> -> memref<100x64xf32, #tpu.memory_space<hbm>>
    %dma_wait3A_110 = arith.constant 0 : i32
    %dma_wait3A_111 = arith.constant 0 : i32
    %dma_wait3A_112 = tpu.memref_slice %arg7[%dma_wait3A_97, %dma_wait3A_110, %dma_wait3A_111] : memref<4x100x64xf32, #tpu.memory_space<vmem>> -> memref<1x100x64xf32, #tpu.memory_space<vmem>>
    %dma_wait3A_113 = tpu.memref_squeeze %dma_wait3A_112 : memref<1x100x64xf32, #tpu.memory_space<vmem>> -> memref<100x64xf32, #tpu.memory_space<vmem>>
    tpu.wait_dma2 semaphore(%arg18 : memref<!tpu.dma_semaphore, #tpu.memory_space<semaphore_mem>>) src(%dma_wait3A_113 : memref<100x64xf32, #tpu.memory_space<vmem>>) dst(%dma_wait3A_109 : memref<100x64xf32, #tpu.memory_space<hbm>>)
    %add3A_114 = arith.constant 127 : i32
    %add3A_115 = arith.addi %mul3A_2, %add3A_114 : i32
    %dma_wait3A_116 = arith.constant 3 : i32
    %dma_wait3A_117 = arith.constant 0 : i32
    %dma_wait3A_118 = arith.constant 0 : i32
    %dma_wait3A_119 = tpu.memref_slice %arg7[%dma_wait3A_116, %dma_wait3A_117, %dma_wait3A_118] : memref<4x100x64xf32, #tpu.memory_space<vmem>> -> memref<1x100x64xf32, #tpu.memory_space<vmem>>
    %dma_wait3A_120 = tpu.memref_squeeze %dma_wait3A_119 : memref<1x100x64xf32, #tpu.memory_space<vmem>> -> memref<100x64xf32, #tpu.memory_space<vmem>>
    %dma_wait3A_121 = arith.constant 100 : i32
    %dma_wait3A_122 = arith.constant 0 : i32
    %dma_wait3A_123 = tpu.memref_slice %arg4[%add3A_115, %dma_wait3A_121, %dma_wait3A_122] : memref<4096x200x64xf32, #tpu.memory_space<hbm>> -> memref<1x100x64xf32, #tpu.memory_space<hbm>>
    %dma_wait3A_124 = tpu.memref_squeeze %dma_wait3A_123 : memref<1x100x64xf32, #tpu.memory_space<hbm>> -> memref<100x64xf32, #tpu.memory_space<hbm>>
    %dma_wait3A_125 = arith.constant 100 : i32
    %dma_wait3A_126 = arith.constant 0 : i32
    %dma_wait3A_127 = tpu.memref_slice %arg4[%add3A_115, %dma_wait3A_125, %dma_wait3A_126] : memref<4096x200x64xf32, #tpu.memory_space<hbm>> -> memref<1x100x64xf32, #tpu.memory_space<hbm>>
    %dma_wait3A_128 = tpu.memref_squeeze %dma_wait3A_127 : memref<1x100x64xf32, #tpu.memory_space<hbm>> -> memref<100x64xf32, #tpu.memory_space<hbm>>
    %dma_wait3A_129 = arith.constant 0 : i32
    %dma_wait3A_130 = arith.constant 0 : i32
    %dma_wait3A_131 = tpu.memref_slice %arg7[%dma_wait3A_116, %dma_wait3A_129, %dma_wait3A_130] : memref<4x100x64xf32, #tpu.memory_space<vmem>> -> memref<1x100x64xf32, #tpu.memory_space<vmem>>
    %dma_wait3A_132 = tpu.memref_squeeze %dma_wait3A_131 : memref<1x100x64xf32, #tpu.memory_space<vmem>> -> memref<100x64xf32, #tpu.memory_space<vmem>>
    tpu.wait_dma2 semaphore(%arg19 : memref<!tpu.dma_semaphore, #tpu.memory_space<semaphore_mem>>) src(%dma_wait3A_132 : memref<100x64xf32, #tpu.memory_space<vmem>>) dst(%dma_wait3A_128 : memref<100x64xf32, #tpu.memory_space<hbm>>)
    return
  }
}

</mosaic_0001>

<sc_bundles>
// kernel: kernel.3.cloned.1.call-start
scs
__scs_entry_jumppad:
0x0: {  	(pc) =	sbr.rel $0x88, $3  }
0x1: {  	(tag) =	ssettag $0x0;
	lr =	simm.s32 $0x1  }
0x2: {  	[smem:$0x3F9F] =	sst lr;
	_ =	strace $0xD0000000  }
0x3: {  	_ = 	snop  }
0x4: {  	_ = 	snop  }
0x5: {  	_ = 	snop  }
0x6: {  	_ = 	snop  }
0x7: {  	_ = 	snop  }
__scs_overlays_trampoline_lowered:
0x8: {  	[smem:$0x3FAE] =	sst s0  }
0x9: {  	[smem:$0x3FAF] =	sst s1  }
0xa: {  	[smem:$0x3FB0] =	sst s2  }
0xb: {  	[smem:$0x3FB1] =	sst s3  }
0xc: {  	[smem:$0x3FB2] =	sst s4  }
0xd: {  	[smem:$0x3FB3] =	sst s5  }
0xe: {  	[smem:$0x3FB4] =	sst s6  }
0xf: {  	[smem:$0x3FB5] =	sst s7  }
0x10: {  	[smem:$0x3FB6] =	sst s8  }
0x11: {  	[smem:$0x3FB7] =	sst s9;
	s0 =	simm.s32 @!p0 $0x0  }
0x12: {  	s1 =	sld [smem:$0x3F9D];
	s0 =	simm.s32 @p0 $0x1  }
0x13: {  	[smem:$0x3FB8] =	sst s0;
	s0 =	simm.s32 @!p1 $0x0  }
0x14: {  	s2 =	sld [smem:$0x3F9C];
	s0 =	simm.s32 @p1 $0x1  }
0x15: {  	[smem:$0x3FB9] =	sst s0;
	s0 =	simm.s32 @!p2 $0x0  }
0x16: {  	s3 =	sld [smem:$0x3FDB];
	s0 =	simm.s32 @p2 $0x1  }
0x17: {  	s4 =	simm.s32 $0x1BF5;
	[smem:$0x3FBB] =	sst s0  }
0x18: {  	s0 =	sld [smem:$0x3F9E];
	_ =	swait.ge [sflag:s4], $0x0  }
0x19: {  	s7 =	sld [smem:$0x3F9F]  }
0x1a: {  	s8 =	sadd.s32 $0xFFFFE003, lr  }
0x1b: {  	s9 =	sadd.s32 $0xFFFFFEF7, lr;
	s5 =	simm.s32 $0xFFFFFFFF;
	p2 =	slt.u32 s8, $0xFFFFF086  }
0x1c: {  	p1 =	slt.u32 s9, $0xF7A;
	s5 =	simm.s32 @!p2 $0x0  }
0x1d: {  	s5 =	simm.s32 @p1 $0x1;
	p0 =	seq.s32 s7, s2  }
0x1e: {  	s7 =	smul.u32 @!p0 $0xF7A, s2;
	p2 =	seq.s32 @!p0 s5, $0x0  }
0x1f: {  	s9 =	smul.u32 $0xF7A, s1;
	s8 =	simm.s32 @!p0 $0x1BF5;
	p2 =	por !p2, p0  }
0x20: {  	[sflag:s8] =	ssyncset.s32 @!p0 $0xFFFFF086;
	s6 =	sadd.s32 @!p0 s3, s7;
	s7 =	simm.s32 @!p0 $0x108  }
0x21: {  	s3 =	sadd.s32 s3, s9;
	s6 =	sadd.s32 @!p0 $0x88, s6;
	s7 =	simm.s32 @p2 $0x1082  }
0x22: {  	[simem:s7], [sflag:s8] =	dma.local @!p0 [hbm:s6], $0xF7A  }
0x23: {  	s9 =	sor.u32 $0xD0000000, s2;
	s6 =	simm.s32 $0x108;
	_ =	swait.ge @!p0 [sflag:s8], $0x0  }
0x24: {  	s3 =	sadd.s32 $0x88, s3;
	s6 =	simm.s32 @!p1 $0x1082;
	[sflag:s4] =	ssyncset.s32 $0xFFFFF086  }
0x25: {  	[simem:s6], [sflag:s4] =	dma.local [hbm:s3], $0xF7A  }
0x26: {  	[smem:$0x3F9F] =	sst s1;
	(tag) =	ssettag s2;
	_ =	strace s9  }
0x27: {  	s1 =	sld [smem:$0x3FAF]  }
0x28: {  	s2 =	sld [smem:$0x3FB0]  }
0x29: {  	s4 =	sld [smem:$0x3FB2]  }
0x2a: {  	p0 =	seq.s32 s5, $0x0;
	s5 =	sld [smem:$0x3FB3]  }
0x2b: {  	s6 =	sld [smem:$0x3FB4]  }
0x2c: {  	s7 =	sld [smem:$0x3FB5]  }
0x2d: {  	s3 =	simm.s32 $0x108;
	s8 =	sld [smem:$0x3FB6]  }
0x2e: {  	s3 =	simm.s32 @!p0 $0x1082;
	s9 =	sld [smem:$0x3FB7]  }
0x2f: {  	lr =	sadd.s32 s0, s3;
	s0 =	sld [smem:$0x3FAE]  }
0x30: {  	s3 =	sld [smem:$0x3FB1]  }
0x31: {  	[smem:$0x3FBA] =	sst s10  }
0x32: {  	s10 =	sld [smem:$0x3FB8];
	_ =	sdelay $0x3  }
0x33: {  	p0 =	seq.s32 s10, $0x1;
	s10 =	sld [smem:$0x3FBA];
	_ =	sdelay $0x3  }
0x34: {  	[smem:$0x3FBA] =	sst s10  }
0x35: {  	s10 =	sld [smem:$0x3FB9];
	_ =	sdelay $0x3  }
0x36: {  	p1 =	seq.s32 s10, $0x1;
	s10 =	sld [smem:$0x3FBA];
	_ =	sdelay $0x3  }
0x37: {  	[smem:$0x3FBA] =	sst s10  }
0x38: {  	s10 =	sld [smem:$0x3FBB]  }
0x39: {  	_ = 	snop;
	(pc) =	sbr.ind lr, $3  }
0x3a: {  	_ = 	snop  }
0x3b: {  	_ = 	snop  }
0x3c: {  	p2 =	seq.s32 s10, $0x1;
	s10 =	sld [smem:$0x3FBA]  }
0x3d: {  	_ =	shalt  }
0x3e: {  	_ =	shalt  }
0x3f: {  	_ =	shalt  }
0x40: {  	_ =	shalt  }
0x41: {  	_ =	shalt  }
0x42: {  	_ =	shalt  }
0x43: {  	_ =	shalt  }
0x44: {  	_ =	shalt  }
0x45: {  	_ =	shalt  }
0x46: {  	_ =	shalt  }
0x47: {  	_ =	shalt  }
0x48: {  	_ =	shalt  }
0x49: {  	_ =	shalt  }
0x4a: {  	_ =	shalt  }
0x4b: {  	_ =	shalt  }
0x4c: {  	_ =	shalt  }
0x4d: {  	_ =	shalt  }
0x4e: {  	_ =	shalt  }
0x4f: {  	_ =	shalt  }
0x50: {  	_ =	shalt  }
0x51: {  	_ =	shalt  }
0x52: {  	_ =	shalt  }
0x53: {  	_ =	shalt  }
0x54: {  	_ =	shalt  }
0x55: {  	_ =	shalt  }
0x56: {  	_ =	shalt  }
0x57: {  	_ =	shalt  }
0x58: {  	_ =	shalt  }
0x59: {  	_ =	shalt  }
0x5a: {  	_ =	shalt  }
0x5b: {  	_ =	shalt  }
0x5c: {  	_ =	shalt  }
0x5d: {  	_ =	shalt  }
0x5e: {  	_ =	shalt  }
0x5f: {  	_ =	shalt  }
0x60: {  	_ =	shalt  }
0x61: {  	_ =	shalt  }
0x62: {  	_ =	shalt  }
0x63: {  	_ =	shalt  }
0x64: {  	_ =	shalt  }
0x65: {  	_ =	shalt  }
0x66: {  	_ =	shalt  }
0x67: {  	_ =	shalt  }
0x68: {  	_ =	shalt  }
0x69: {  	_ =	shalt  }
0x6a: {  	_ =	shalt  }
0x6b: {  	_ =	shalt  }
0x6c: {  	_ =	shalt  }
0x6d: {  	_ =	shalt  }
0x6e: {  	_ =	shalt  }
0x6f: {  	_ =	shalt  }
0x70: {  	_ =	shalt  }
0x71: {  	_ =	shalt  }
0x72: {  	_ =	shalt  }
0x73: {  	_ =	shalt  }
0x74: {  	_ =	shalt  }
0x75: {  	_ =	shalt  }
0x76: {  	_ =	shalt  }
0x77: {  	_ =	shalt  }
0x78: {  	_ =	shalt  }
0x79: {  	_ =	shalt  }
0x7a: {  	_ =	shalt  }
0x7b: {  	_ =	shalt  }
0x7c: {  	_ =	shalt  }
0x7d: {  	_ =	shalt  }
0x7e: {  	_ =	shalt  }
0x7f: {  	_ =	shalt  }
0x80: {  	_ =	shalt  }
0x81: {  	_ =	shalt  }
0x82: {  	_ =	shalt  }
0x83: {  	_ =	shalt  }
0x84: {  	_ =	shalt  }
0x85: {  	_ =	shalt  }
0x86: {  	_ =	shalt  }
0x87: {  	_ =	shalt  }
.Lfunc_end0:
.L_simem_size_0:
called_computation.1_lowered:
.L_overlay_start_0:
0x88: {  	s2 =	sld [smem:$0x3FD9]  }
0x89: {  	s3 =	sld [smem:$0x3FFE];
	_ =	sdelay $0x1  }
0x8a: {  	s1 =	srdreg.scid  }
0x8b: {  	s0 =	sand.u32 $0x1, s1  }
0x8c: {  	s17 =	sshll.u32 s0, $0xA;
	s2 =	sadd.s32 s3, s2  }
0x8d: {  	s2 =	sadd.s32 s2, s17  }
0x8e: {  	[smem:$0x3FC6] =	sst s2  }
0x8f: {  	_ = 	snop  }
0x90: {  	s2 =	sld [smem:$0x3FD0];
	(tm) =	ssettm $0x1  }
0x91: {  	s18 =	sld [smem:$0x3FFB];
	_ =	sdelay $0x3  }
0x92: {  	_ =	strace s18  }
0x93: {  	s3 =	sld [smem:$0x3FFC];
	_ =	sdelay $0x3  }
0x94: {  	_ =	strace s3  }
0x95: {  	s3 =	sld [smem:$0x3FFD];
	_ =	sdelay $0x3  }
0x96: {  	_ =	strace s3  }
0x97: {  	_ =	strace $0x8FFFFFFF  }
0x98: {  	s19 =	sld [smem:$0x3FDB];
	_ =	sdelay $0x1  }
0x99: {  	s4 =	simm.s32 $_scs_section_size  }
0x9a: {  	s5 =	simm.s32 $_size__tile_overlayer_lowered;
	s6 =	simm.s32 $_tile_overlayer_lowered  }
0x9b: {  	s22 =	simm.s32 $0x1BFF;
	s21 =	sshll.u32 s6, $0x1;
	s3 =	sadd.s32 s4, s19  }
0x9c: {  	s7 =	simm.s32 $0x0;
	s20 =	sshll.u32 s5, $0x1;
	s5 =	sadd.s32 s21, s3  }
0x9d: {  	[timem:s7], [sflag:s22] =	dma.local [hbm:s5], s20  }
0x9e: {  	_ =	swait.ge [sflag:s22], s20  }
0x9f: {  	s4 =	ssub.s32 $0x0, s20;
	[sflag:s22] =	ssyncset.done $0x0  }
0xa0: {  	[sflag:s22] =	ssyncadd.s32 s4;
	_ =	sdelay $0x1  }
0xa1: {  	s23 =	simm.s32 $0x1B8B  }
0xa2: {  	_ =	swait.ge [sflag:s23], $0x1  }
0xa3: {  	[sflag:s23] =	ssyncset.done $0x0  }
0xa4: {  	s25 =	simm.s32 $0x1B8E;
	s24 =	sld [smem:$0x3FFE];
	[sflag:s23] =	ssyncadd.s32 $0xFFFFFFFF  }
0xa5: {  	s26 =	simm.s32 $execute0_lowered;
	[smem:$0x3FD2] =	sst s25  }
0xa6: {  	s5 =	sshll.u32 s26, $0x1;
	_ =	strace $0x80000046;
	[dreg:$0x1] =	wrdreg $0xFFFFFFFF  }
0xa7: {  	s28 =	simm.s32 $_size_execute0_lowered;
	s3 =	sadd.s32 s3, s5;
	[dreg:$0x0] =	wrdreg $0x0  }
0xa8: {  	s5 =	sshll.u32 s28, $0x1;
	[dreg:$0x2] =	wrdreg s3  }
0xa9: {  	[dreg:$0x3] =	wrdreg s5  }
0xaa: {  	[dreg:$0x4] =	wrdreg $0xC0  }
0xab: {  	_ =	task [dreg:s7], $0x5FFFF  }
0xac: {  	[dreg:$0x1] =	wrdreg $0xFFFFFFFF  }
0xad: {  	[dreg:$0x0] =	wrdreg $0x60  }
0xae: {  	[dreg:$0x2] =	wrdreg s24  }
0xaf: {  	[dreg:$0x3] =	wrdreg s2  }
0xb0: {  	[dreg:$0x4] =	wrdreg $0x9  }
0xb1: {  	_ =	task.clear_ibuf [dreg:s7], $0x5FFFF;
	_ =	strace $0x90000046  }
0xb2: {  	s29 =	simm.s32 $0x9;
	_ =	strace $0x80000048  }
0xb3: {  	_ =	swait.ge [sflag:s29], $0x1  }
0xb4: {  	[sflag:s29] =	ssyncadd.s32 $0xFFFFFFFF  }
0xb5: {  	_ =	strace $0x90000048  }
0xb6: {  	_ =	sfence  }
0xb7: {  	s30 =	sld [smem:$0x0];
	_ =	sdelay $0x2  }
0xb8: {  	s31 =	sshll.u32 s1, $0xD;
	s1 =	sshrl.u32 s1, $0x2  }
0xb9: {  	s3 =	sand.u32 $0x4000, s31;
	s1 =	sadd.s32 s1, s30  }
0xba: {  	s0 =	sor.u32 s3, s0;
	s1 =	sshll.u32 s1, $0x11  }
0xbb: {  	s0 =	sor.u32 s1, s0  }
0xbc: {  	s0 =	sadd.s32 $0x8F2B, s0  }
0xbd: {  	[sflag:s0] =	ssyncadd.remote.s32 $0x1  }
0xbe: {  	_ =	sfence.sel $0xFFFF  }
0xbf: {  	[dreg:$0x0] =	wrdreg $0xFFFFFFFF;
	(pc) =	sbr.abs _section_cstart, $3  }
0xc0: {  	[dreg:$0x1] =	wrdreg $0xFFFFFFFF  }
0xc1: {  	_ =	task.clear_ibuf [dreg:s7], $0x2FFFF;
	_ =	strace $0x9FFFFFFF  }
0xc2: {  	(tm) =	ssettm $0x7FFFFFFF  }
0xc3: {  	_ =	shalt  }
tec
execute0_lowered:
.L_overlay_start_1:
0x0: {  	(tag) =	ssettag $0x1  }
0x1: {  	s0 =	srdreg.scid  }
0x2: {  	s2 =	stileid.u32;
	s1 =	rddreg [dreg:$0x0]  }
0x3: {  	s8 =	simm.s32 $0x9;
	s9 =	simm.s32 $0x64;
	s15 =	simm.s32 $0x138  }
0x4: {  	s16 =	simm.s32 $0xFE00;
	s17 =	simm.s32 $0x1;
	s18 =	simm.s32 $0x13000  }
0x5: {  	s19 =	simm.s32 $0x2;
	s20 =	simm.s32 $0x14900;
	s21 =	simm.s32 $0x3  }
0x6: {  	s22 =	simm.s32 $0x16200;
	s23 =	simm.s32 $0x4;
	s24 =	simm.s32 $0x17B00  }
0x7: {  	s25 =	simm.s32 $0x5;
	s26 =	simm.s32 $0x6;
	s28 =	simm.s32 $0x7  }
0x8: {  	s29 =	simm.s32 $0x8;
	s0 =	sand.u32 $0x1, s0;
	s3 =	sshll.u32 s2, $0x1  }
0x9: {  	s30 =	simm.s32 $0x0;
	s2 =	rddreg [dreg:$0x1];
	s5 =	sor.u32 s0, s3  }
0xa: {  	s3 =	simm.s32 $0x0;
	s0 =	ssub.s32 $0x2, s0;
	s4 =	smul.u32 $0xD00, s5  }
0xb: {  	[smem:$0x7FF] =	sst s3;
	s7 =	sshrl.u32 s0, $0x1;
	s5 =	sshll.u32 s5, $0x7  }
0xc: {  	_ =	strace $0x80000047;
	s0 =	ssub.s32 s0, s7;
	s6 =	sadd.s32 s4, s1  }
0xd: {  	s4 =	sadd.s32 $0xF5CE00, s1;
	s7 =	smax.u32 s0, $0x1;
	s6 =	sadd.s32 $0xF42E00, s6  }
.LBB2_1:
0xe: {  	[tilespmem:s3], [sflag:$0x9] =	stream.linear.gather [hbm4b:s6+s3], $0x6800, $0x38;
	[tilespmem:$0x19400] =	vst v63  }
0xf: {  	_ =	swait.ge [sflag:s8], $0x6800  }
0x10: {  	[sflag:s8] =	ssyncset.done $0x0  }
0x11: {  	s0 =	simm.s32 $0x6800;
	[sflag:s8] =	ssyncadd.s32 $0xFFFF9800  }
0x12: {  	[tilespmem:s0], [sflag:$0x1] =	stream.indirect.gather [hbm4b:s4+s9], $0x80, s3, s9, $0xb8;
	[tilespmem:$0x19400] =	vst v63  }
0x13: {  	s12 =	simm.s32 $0x68;
	s1 =	simm.s32 $0x9A00  }
0x14: {  	[tilespmem:s1], [sflag:$0x2] =	stream.indirect.gather [hbm4b:s4+s9], $0x80, s12, s9, $0xb8;
	[tilespmem:$0x19400] =	vst v63  }
0x15: {  	s13 =	simm.s32 $0xD0;
	s14 =	simm.s32 $0xCC00  }
0x16: {  	[tilespmem:s14], [sflag:$0x3] =	stream.indirect.gather [hbm4b:s4+s9], $0x80, s13, s9, $0xb8;
	[tilespmem:$0x19400] =	vst v63  }
0x17: {  	s31 =	simm.s32 $0x0  }
0x18: {  	[tilespmem:s16], [sflag:$0x4] =	stream.indirect.gather [hbm4b:s4+s9], $0x80, s15, s9, $0xb8;
	[tilespmem:$0x19400] =	vst v63  }
.LBB2_2:
0x19: {  	p0 =	seq.s32 s31, $0x0  }
0x1a: {  	s1 =	sshllo.u32 s31, $0x2;
	s0 =	simm.s32 @!p0 $0x8  }
0x1b: {  	s10 =	smul.u32 @!p0 $0x1A0, s1;
	_ =	swait.ge @!p0 [sflag:s0], $0x1900  }
0x1c: {  	s11 =	simm.s32 @!p0 $0xFE00;
	[sflag:s0] =	ssyncset.done @!p0 $0x0  }
0x1d: {  	[sflag:s0] =	ssyncadd.s32 @!p0 $0xFFFFE700;
	s0 =	sshra.s32 @!p0 s10, $0x2;
	s10 =	simm.s32 @!p0 $0x64  }
0x1e: {  	[tilespmem:s11], [sflag:$0x4] =	stream.indirect.gather @!p0 [hbm4b:s4+s10], $0x80, s0, s10, $0xb8;
	[tilespmem:$0x19400] =	vst v63  }
0x1f: {  	_ =	swait.ge [sflag:s17], $0x3200  }
0x20: {  	[sflag:s17] =	ssyncset.done $0x0  }
0x21: {  	s14 =	simm.s32 $0x0;
	[sflag:s17] =	ssyncadd.s32 $0xFFFFCE00  }
0x22: {  	v0 =	vld [tilespmem:s14+$0x6800];
	_ =	sdelay $0x4  }
0x23: {  	v0 =	vmul.f32 $8.000000000e+00, v0  }
0x24: {  	s0 =	simm.s32 $0x13020  }
0x25: {  	[tilespmem:s0+$0xFFFFFFE0] =	vst v0  }
0x26: {  	v0 =	vld [tilespmem:s14+$0x6810];
	_ =	sdelay $0x4  }
0x27: {  	v0 =	vmul.f32 $8.000000000e+00, v0;
	_ =	sdelay $0x1  }
0x28: {  	[tilespmem:s0+$0xFFFFFFF0] =	vst v0  }
0x29: {  	v0 =	vld [tilespmem:s14+$0x6820];
	_ =	sdelay $0x4  }
0x2a: {  	v0 =	vmul.f32 $8.000000000e+00, v0;
	_ =	sdelay $0x1  }
0x2b: {  	[tilespmem:s0+$0x0] =	vst v0  }
0x2c: {  	v0 =	vld [tilespmem:s14+$0x6830];
	_ =	sdelay $0x4  }
0x2d: {  	v0 =	vmul.f32 $8.000000000e+00, v0;
	_ =	sdelay $0x1  }
0x2e: {  	s10 =	simm.s32 $0x80;
	s11 =	simm.s32 $0x400;
	[tilespmem:s0+$0x10] =	vst v0  }
.LBB2_3:
0x2f: {  	p0 =	sne.s32 s11, $0xC600;
	v0 =	vld [tilespmem:s10+$0x6800];
	_ =	sdelay $0x4  }
0x30: {  	v0 =	vmul.f32 $8.000000000e+00, v0  }
0x31: {  	s0 =	sadd.s32 $0x40, s0  }
0x32: {  	[tilespmem:s0+$0xFFFFFFE0] =	vst v0  }
0x33: {  	v0 =	vld [tilespmem:s10+$0x6810];
	_ =	sdelay $0x4  }
0x34: {  	v0 =	vmul.f32 $8.000000000e+00, v0;
	_ =	sdelay $0x1  }
0x35: {  	[tilespmem:s0+$0xFFFFFFF0] =	vst v0  }
0x36: {  	v0 =	vld [tilespmem:s10+$0x6820];
	_ =	sdelay $0x4  }
0x37: {  	v0 =	vmul.f32 $8.000000000e+00, v0;
	_ =	sdelay $0x1  }
0x38: {  	[tilespmem:s0+$0x0] =	vst v0  }
0x39: {  	v0 =	vld [tilespmem:s10+$0x6830];
	_ =	sdelay $0x2  }
.Ltmp0:
0x3a: {  	(pc) =	sbr.rel @p0 .LBB2_3-.Ltmp0, $3  }
0x3b: {  	_ = 	snop  }
0x3c: {  	v0 =	vmul.f32 $8.000000000e+00, v0;
	_ =	sdelay $0x1  }
0x3d: {  	s10 =	sshra.s32 s11, $0x2;
	s11 =	sadd.s32 $0x200, s11;
	[tilespmem:s0+$0x10] =	vst v0  }
0x3e: {  	v0 =	vld [tilespmem:s10+$0x6800];
	_ =	sdelay $0x4  }
0x3f: {  	v0 =	vmul.f32 $8.000000000e+00, v0  }
0x40: {  	s12 =	sadd.s32 $0x40, s0  }
0x41: {  	[tilespmem:s12+$0xFFFFFFE0] =	vst v0  }
0x42: {  	v0 =	vld [tilespmem:s10+$0x6810];
	_ =	sdelay $0x4  }
0x43: {  	v0 =	vmul.f32 $8.000000000e+00, v0;
	_ =	sdelay $0x1  }
0x44: {  	[tilespmem:s12+$0xFFFFFFF0] =	vst v0  }
0x45: {  	v0 =	vld [tilespmem:s10+$0x6820];
	_ =	sdelay $0x4  }
0x46: {  	v0 =	vmul.f32 $8.000000000e+00, v0;
	_ =	sdelay $0x1  }
0x47: {  	[tilespmem:s12+$0x0] =	vst v0  }
0x48: {  	v0 =	vld [tilespmem:s10+$0x6830];
	_ =	sdelay $0x2  }
0x49: {  	s0 =	sshll.u32 s31, $0x1  }
0x4a: {  	s11 =	sor.u32 s5, s0  }
0x4b: {  	s13 =	smul.u32 $0x640, s11;
	v0 =	vmul.f32 $8.000000000e+00, v0;
	_ =	sdelay $0x1  }
0x4c: {  	p0 =	seq.s32 s31, $0x3F;
	s10 =	sadd.s32 s2, s13;
	[tilespmem:s12+$0x10] =	vst v0  }
0x4d: {  	[hbm4b:s10+s3] =	stream.linear.scatter [tilespmem:s18], [sflag:$0x5], $0x1900, $0x38;
	[tilespmem:$0x19400] =	vst v63  }
0x4e: {  	s10 =	simm.s32 @!p0 $0x5  }
0x4f: {  	s12 =	smul.u32 @!p0 $0x680, s31;
	_ =	swait.ge @!p0 [sflag:s10], $0x1900  }
0x50: {  	[sflag:s10] =	ssyncset.done @!p0 $0x0  }
0x51: {  	[sflag:s10] =	ssyncadd.s32 @!p0 $0xFFFFE700;
	s10 =	sshra.s32 @!p0 s12, $0x2  }
0x52: {  	s14 =	simm.s32 @!p0 $0x6800;
	s13 =	simm.s32 @!p0 $0x64;
	s12 =	sadd.s32 @!p0 $0x1A0, s10  }
0x53: {  	[tilespmem:s14], [sflag:$0x1] =	stream.indirect.gather @!p0 [hbm4b:s4+s13], $0x80, s12, s13, $0xb8;
	[tilespmem:$0x19400] =	vst v63  }
0x54: {  	_ =	swait.ge [sflag:s19], $0x3200  }
0x55: {  	[sflag:s19] =	ssyncset.done $0x0  }
0x56: {  	s14 =	simm.s32 $0x0;
	[sflag:s19] =	ssyncadd.s32 $0xFFFFCE00  }
0x57: {  	v63 =	vld [tilespmem:s14+$0x9A00];
	_ =	sdelay $0x4  }
0x58: {  	v0 =	vmul.f32 $8.000000000e+00, v63  }
0x59: {  	s12 =	simm.s32 $0x14930  }
0x5a: {  	[tilespmem:s12+$0xFFFFFFD0] =	vst v0  }
0x5b: {  	v0 =	vld [tilespmem:s14+$0x9A10];
	_ =	sdelay $0x4  }
0x5c: {  	v0 =	vmul.f32 $8.000000000e+00, v0;
	_ =	sdelay $0x1  }
0x5d: {  	[tilespmem:s12+$0xFFFFFFE0] =	vst v0  }
0x5e: {  	v0 =	vld [tilespmem:s14+$0x9A20];
	_ =	sdelay $0x4  }
0x5f: {  	v0 =	vmul.f32 $8.000000000e+00, v0;
	_ =	sdelay $0x1  }
0x60: {  	[tilespmem:s12+$0xFFFFFFF0] =	vst v0  }
0x61: {  	v0 =	vld [tilespmem:s14+$0x9A30];
	_ =	sdelay $0x4  }
0x62: {  	v0 =	vmul.f32 $8.000000000e+00, v0;
	_ =	sdelay $0x1  }
0x63: {  	s13 =	simm.s32 $0x80;
	s14 =	simm.s32 $0x400;
	[tilespmem:s12+$0x0] =	vst v0  }
.LBB2_5:
0x64: {  	p1 =	sne.s32 s14, $0xC600;
	v0 =	vld [tilespmem:s13+$0x9A00];
	_ =	sdelay $0x4  }
0x65: {  	v0 =	vmul.f32 $8.000000000e+00, v0  }
0x66: {  	s12 =	sadd.s32 $0x40, s12  }
0x67: {  	[tilespmem:s12+$0xFFFFFFD0] =	vst v0  }
0x68: {  	v0 =	vld [tilespmem:s13+$0x9A10];
	_ =	sdelay $0x4  }
0x69: {  	v0 =	vmul.f32 $8.000000000e+00, v0;
	_ =	sdelay $0x1  }
0x6a: {  	[tilespmem:s12+$0xFFFFFFE0] =	vst v0  }
0x6b: {  	v0 =	vld [tilespmem:s13+$0x9A20];
	_ =	sdelay $0x4  }
0x6c: {  	v0 =	vmul.f32 $8.000000000e+00, v0;
	_ =	sdelay $0x1  }
0x6d: {  	[tilespmem:s12+$0xFFFFFFF0] =	vst v0  }
0x6e: {  	v0 =	vld [tilespmem:s13+$0x9A30];
	_ =	sdelay $0x2  }
.Ltmp1:
0x6f: {  	(pc) =	sbr.rel @p1 .LBB2_5-.Ltmp1, $3  }
0x70: {  	_ = 	snop  }
0x71: {  	v0 =	vmul.f32 $8.000000000e+00, v0;
	_ =	sdelay $0x1  }
0x72: {  	s13 =	sshra.s32 s14, $0x2;
	s14 =	sadd.s32 $0x200, s14;
	[tilespmem:s12+$0x0] =	vst v0  }
0x73: {  	v0 =	vld [tilespmem:s13+$0x9A00];
	_ =	sdelay $0x4  }
0x74: {  	v0 =	vmul.f32 $8.000000000e+00, v0  }
0x75: {  	s12 =	sadd.s32 $0x40, s12  }
0x76: {  	[tilespmem:s12+$0xFFFFFFD0] =	vst v0  }
0x77: {  	v0 =	vld [tilespmem:s13+$0x9A10];
	_ =	sdelay $0x4  }
0x78: {  	v0 =	vmul.f32 $8.000000000e+00, v0;
	_ =	sdelay $0x1  }
0x79: {  	[tilespmem:s12+$0xFFFFFFE0] =	vst v0  }
0x7a: {  	v0 =	vld [tilespmem:s13+$0x9A20];
	_ =	sdelay $0x4  }
0x7b: {  	v0 =	vmul.f32 $8.000000000e+00, v0;
	_ =	sdelay $0x1  }
0x7c: {  	[tilespmem:s12+$0xFFFFFFF0] =	vst v0  }
0x7d: {  	v0 =	vld [tilespmem:s13+$0x9A30];
	_ =	sdelay $0x2  }
0x7e: {  	s11 =	smul.u32 $0x3200, s11;
	_ =	sdelay $0x1  }
0x7f: {  	s11 =	sshrl.u32 s11, $0x3;
	v0 =	vmul.f32 $8.000000000e+00, v0  }
0x80: {  	s11 =	sadd.s32 s2, s11  }
0x81: {  	s11 =	sadd.s32 $0x320, s11;
	[tilespmem:s12+$0x0] =	vst v0  }
0x82: {  	[hbm4b:s11+s3] =	stream.linear.scatter [tilespmem:s20], [sflag:$0x6], $0x1900, $0x38;
	[tilespmem:$0x19400] =	vst v63  }
0x83: {  	s11 =	simm.s32 @!p0 $0x6  }
0x84: {  	_ =	swait.ge @!p0 [sflag:s11], $0x1900  }
0x85: {  	s13 =	simm.s32 @!p0 $0x9A00;
	[sflag:s11] =	ssyncset.done @!p0 $0x0  }
0x86: {  	s12 =	simm.s32 @!p0 $0x64;
	[sflag:s11] =	ssyncadd.s32 @!p0 $0xFFFFE700;
	s11 =	sadd.s32 @!p0 $0x208, s10  }
0x87: {  	[tilespmem:s13], [sflag:$0x2] =	stream.indirect.gather @!p0 [hbm4b:s4+s12], $0x80, s11, s12, $0xb8;
	[tilespmem:$0x19400] =	vst v63  }
0x88: {  	_ =	swait.ge [sflag:s21], $0x3200  }
0x89: {  	[sflag:s21] =	ssyncset.done $0x0  }
0x8a: {  	s14 =	simm.s32 $0x0;
	[sflag:s21] =	ssyncadd.s32 $0xFFFFCE00  }
0x8b: {  	v63 =	vld [tilespmem:s14+$0xCC00];
	_ =	sdelay $0x4  }
0x8c: {  	v0 =	vmul.f32 $8.000000000e+00, v63  }
0x8d: {  	s11 =	simm.s32 $0x16230  }
0x8e: {  	[tilespmem:s11+$0xFFFFFFD0] =	vst v0  }
0x8f: {  	v0 =	vld [tilespmem:s14+$0xCC10];
	_ =	sdelay $0x4  }
0x90: {  	v0 =	vmul.f32 $8.000000000e+00, v0;
	_ =	sdelay $0x1  }
0x91: {  	[tilespmem:s11+$0xFFFFFFE0] =	vst v0  }
0x92: {  	v0 =	vld [tilespmem:s14+$0xCC20];
	_ =	sdelay $0x4  }
0x93: {  	v0 =	vmul.f32 $8.000000000e+00, v0;
	_ =	sdelay $0x1  }
0x94: {  	[tilespmem:s11+$0xFFFFFFF0] =	vst v0  }
0x95: {  	v0 =	vld [tilespmem:s14+$0xCC30];
	_ =	sdelay $0x4  }
0x96: {  	v0 =	vmul.f32 $8.000000000e+00, v0;
	_ =	sdelay $0x1  }
0x97: {  	s12 =	simm.s32 $0x80;
	s13 =	simm.s32 $0x400;
	[tilespmem:s11+$0x0] =	vst v0  }
.LBB2_7:
0x98: {  	p1 =	sne.s32 s13, $0xC600;
	v0 =	vld [tilespmem:s12+$0xCC00];
	_ =	sdelay $0x4  }
0x99: {  	v0 =	vmul.f32 $8.000000000e+00, v0  }
0x9a: {  	s11 =	sadd.s32 $0x40, s11  }
0x9b: {  	[tilespmem:s11+$0xFFFFFFD0] =	vst v0  }
0x9c: {  	v0 =	vld [tilespmem:s12+$0xCC10];
	_ =	sdelay $0x4  }
0x9d: {  	v0 =	vmul.f32 $8.000000000e+00, v0;
	_ =	sdelay $0x1  }
0x9e: {  	[tilespmem:s11+$0xFFFFFFE0] =	vst v0  }
0x9f: {  	v0 =	vld [tilespmem:s12+$0xCC20];
	_ =	sdelay $0x4  }
0xa0: {  	v0 =	vmul.f32 $8.000000000e+00, v0;
	_ =	sdelay $0x1  }
0xa1: {  	[tilespmem:s11+$0xFFFFFFF0] =	vst v0  }
0xa2: {  	v0 =	vld [tilespmem:s12+$0xCC30];
	_ =	sdelay $0x2  }
.Ltmp2:
0xa3: {  	(pc) =	sbr.rel @p1 .LBB2_7-.Ltmp2, $3  }
0xa4: {  	_ = 	snop  }
0xa5: {  	v0 =	vmul.f32 $8.000000000e+00, v0;
	_ =	sdelay $0x1  }
0xa6: {  	s12 =	sshra.s32 s13, $0x2;
	s13 =	sadd.s32 $0x200, s13;
	[tilespmem:s11+$0x0] =	vst v0  }
0xa7: {  	v0 =	vld [tilespmem:s12+$0xCC00];
	_ =	sdelay $0x4  }
0xa8: {  	v0 =	vmul.f32 $8.000000000e+00, v0  }
0xa9: {  	s11 =	sadd.s32 $0x40, s11  }
0xaa: {  	[tilespmem:s11+$0xFFFFFFD0] =	vst v0  }
0xab: {  	v0 =	vld [tilespmem:s12+$0xCC10];
	_ =	sdelay $0x4  }
0xac: {  	v0 =	vmul.f32 $8.000000000e+00, v0;
	_ =	sdelay $0x1  }
0xad: {  	[tilespmem:s11+$0xFFFFFFE0] =	vst v0  }
0xae: {  	v0 =	vld [tilespmem:s12+$0xCC20];
	_ =	sdelay $0x4  }
0xaf: {  	v0 =	vmul.f32 $8.000000000e+00, v0;
	_ =	sdelay $0x1  }
0xb0: {  	[tilespmem:s11+$0xFFFFFFF0] =	vst v0  }
0xb1: {  	v0 =	vld [tilespmem:s12+$0xCC30];
	_ =	sdelay $0x2  }
0xb2: {  	s0 =	sadd.s32 s0, s5  }
0xb3: {  	s0 =	smul.u32 $0x640, s0  }
0xb4: {  	v0 =	vmul.f32 $8.000000000e+00, v0  }
0xb5: {  	s0 =	sadd.s32 s2, s0  }
0xb6: {  	s0 =	sadd.s32 $0x640, s0;
	[tilespmem:s11+$0x0] =	vst v0  }
0xb7: {  	[hbm4b:s0+s3] =	stream.linear.scatter [tilespmem:s22], [sflag:$0x7], $0x1900, $0x38;
	[tilespmem:$0x19400] =	vst v63  }
0xb8: {  	s0 =	simm.s32 @!p0 $0x7  }
0xb9: {  	_ =	swait.ge @!p0 [sflag:s0], $0x1900  }
0xba: {  	s11 =	simm.s32 @!p0 $0xCC00;
	[sflag:s0] =	ssyncset.done @!p0 $0x0  }
0xbb: {  	[sflag:s0] =	ssyncadd.s32 @!p0 $0xFFFFE700;
	s0 =	sadd.s32 @!p0 $0x270, s10;
	s10 =	simm.s32 @!p0 $0x64  }
0xbc: {  	[tilespmem:s11], [sflag:$0x3] =	stream.indirect.gather @!p0 [hbm4b:s4+s10], $0x80, s0, s10, $0xb8;
	[tilespmem:$0x19400] =	vst v63  }
0xbd: {  	_ =	swait.ge [sflag:s23], $0x3200  }
0xbe: {  	[sflag:s23] =	ssyncset.done $0x0  }
0xbf: {  	s14 =	simm.s32 $0x0;
	[sflag:s23] =	ssyncadd.s32 $0xFFFFCE00  }
0xc0: {  	v63 =	vld [tilespmem:s14+$0xFE00];
	_ =	sdelay $0x4  }
0xc1: {  	v0 =	vmul.f32 $8.000000000e+00, v63  }
0xc2: {  	s0 =	simm.s32 $0x17B00  }
0xc3: {  	[tilespmem:s0+$0x0] =	vst v0  }
0xc4: {  	v0 =	vld [tilespmem:s14+$0xFE10];
	_ =	sdelay $0x4  }
0xc5: {  	v0 =	vmul.f32 $8.000000000e+00, v0;
	_ =	sdelay $0x1  }
0xc6: {  	[tilespmem:s0+$0x10] =	vst v0  }
0xc7: {  	v0 =	vld [tilespmem:s14+$0xFE20];
	_ =	sdelay $0x4  }
0xc8: {  	v0 =	vmul.f32 $8.000000000e+00, v0;
	_ =	sdelay $0x1  }
0xc9: {  	[tilespmem:s0+$0x20] =	vst v0  }
0xca: {  	v0 =	vld [tilespmem:s14+$0xFE30];
	_ =	sdelay $0x4  }
0xcb: {  	v0 =	vmul.f32 $8.000000000e+00, v0;
	_ =	sdelay $0x1  }
0xcc: {  	s10 =	simm.s32 $0x80;
	s11 =	simm.s32 $0x400;
	[tilespmem:s0+$0x30] =	vst v0  }
.LBB2_9:
0xcd: {  	p0 =	sne.s32 s11, $0xC600;
	v0 =	vld [tilespmem:s10+$0xFE00];
	_ =	sdelay $0x4  }
0xce: {  	v0 =	vmul.f32 $8.000000000e+00, v0  }
0xcf: {  	s0 =	sadd.s32 $0x40, s0  }
0xd0: {  	[tilespmem:s0+$0x0] =	vst v0  }
0xd1: {  	v0 =	vld [tilespmem:s10+$0xFE10];
	_ =	sdelay $0x4  }
0xd2: {  	v0 =	vmul.f32 $8.000000000e+00, v0;
	_ =	sdelay $0x1  }
0xd3: {  	[tilespmem:s0+$0x10] =	vst v0  }
0xd4: {  	v0 =	vld [tilespmem:s10+$0xFE20];
	_ =	sdelay $0x4  }
0xd5: {  	v0 =	vmul.f32 $8.000000000e+00, v0;
	_ =	sdelay $0x1  }
0xd6: {  	[tilespmem:s0+$0x20] =	vst v0  }
0xd7: {  	v0 =	vld [tilespmem:s10+$0xFE30];
	_ =	sdelay $0x2  }
.Ltmp3:
0xd8: {  	(pc) =	sbr.rel @p0 .LBB2_9-.Ltmp3, $3  }
0xd9: {  	_ = 	snop  }
0xda: {  	v0 =	vmul.f32 $8.000000000e+00, v0;
	_ =	sdelay $0x1  }
0xdb: {  	s10 =	sshra.s32 s11, $0x2;
	s11 =	sadd.s32 $0x200, s11;
	[tilespmem:s0+$0x30] =	vst v0  }
0xdc: {  	v0 =	vld [tilespmem:s10+$0xFE00];
	_ =	sdelay $0x4  }
0xdd: {  	v0 =	vmul.f32 $8.000000000e+00, v0  }
0xde: {  	s0 =	sadd.s32 $0x40, s0  }
0xdf: {  	[tilespmem:s0+$0x0] =	vst v0  }
0xe0: {  	v0 =	vld [tilespmem:s10+$0xFE10];
	_ =	sdelay $0x4  }
0xe1: {  	v0 =	vmul.f32 $8.000000000e+00, v0;
	_ =	sdelay $0x1  }
0xe2: {  	[tilespmem:s0+$0x10] =	vst v0  }
0xe3: {  	v0 =	vld [tilespmem:s10+$0xFE20];
	_ =	sdelay $0x4  }
0xe4: {  	v0 =	vmul.f32 $8.000000000e+00, v0;
	_ =	sdelay $0x1  }
0xe5: {  	[tilespmem:s0+$0x20] =	vst v0  }
0xe6: {  	v0 =	vld [tilespmem:s10+$0xFE30]  }
0xe7: {  	s1 =	sshrl.u32 s1, $0x1  }
0xe8: {  	s31 =	sadd.s32 $0x1, s31;
	s1 =	sadd.s32 s5, s1  }
0xe9: {  	p0 =	sne.s32 s31, $0x40;
	s1 =	smul.u32 $0x3200, s1  }
.Ltmp4:
0xea: {  	_ = 	snop;
	(pc) =	sbr.rel @p0 .LBB2_2-.Ltmp4, $4  }
0xeb: {  	s1 =	sshrl.u32 s1, $0x3;
	v0 =	vmul.f32 $8.000000000e+00, v0  }
0xec: {  	s1 =	sadd.s32 s2, s1  }
0xed: {  	s14 =	sadd.s32 $0x320, s1;
	[tilespmem:s0+$0x30] =	vst v0  }
0xee: {  	[hbm4b:s14+s3] =	stream.linear.scatter [tilespmem:s24], [sflag:$0x8], $0x1900, $0x38;
	[tilespmem:$0x19400] =	vst v63  }
0xef: {  	_ =	swait.ge [sflag:s25], $0x1900  }
0xf0: {  	[sflag:s25] =	ssyncset.done $0x0  }
0xf1: {  	[sflag:s25] =	ssyncadd.s32 $0xFFFFE700  }
0xf2: {  	_ =	swait.ge [sflag:s26], $0x1900  }
0xf3: {  	[sflag:s26] =	ssyncset.done $0x0  }
0xf4: {  	s30 =	sadd.s32 $0x1, s30;
	[sflag:s26] =	ssyncadd.s32 $0xFFFFE700  }
0xf5: {  	p0 =	sne.s32 s30, s7;
	_ =	swait.ge [sflag:s28], $0x1900  }
.Ltmp5:
0xf6: {  	[sflag:s28] =	ssyncset.done $0x0;
	(pc) =	sbr.rel @p0 .LBB2_1-.Ltmp5, $4  }
0xf7: {  	[sflag:s28] =	ssyncadd.s32 $0xFFFFE700  }
0xf8: {  	_ =	swait.ge [sflag:s29], $0x1900  }
0xf9: {  	[sflag:s29] =	ssyncset.done $0x0  }
0xfa: {  	[sflag:s29] =	ssyncadd.s32 $0xFFFFE700  }
0xfb: {  	_ =	sfence.sel $0x180000  }
0xfc: {  	[bflag:$0x0] =	sbarrier.arrive $0xFFFF  }
0xfd: {  	_ =	strace $0x90000047  }
0xfe: {  	s0 =	stileid.u32;
	[bflag:$0x2] =	sbarrier.arrive $0xFFFF  }
0xff: {  	p0 =	sne.s32 s0, $0x0;
	s0 =	rddreg [dreg:$0x2]  }
0x100: {  	s0 =	sadd.s32 @!p0 $0x100000, s0  }
0x101: {  	[sflag:s0] =	ssyncadd.tile.s32 @!p0 $0x1;
	_ =	shalt  }
.Lfunc_end2:
_tile_overlayer_lowered:
.L_overlay_start_2:
0x102: {  	(tag) =	ssettag $0x2  }
0x103: {  	s0 =	rddreg [dreg:$0x0];
	s2 =	stileid.u32  }
0x104: {  	s1 =	rddreg [dreg:$0x1];
	p0 =	sne.s32 s2, $0x0  }
0x105: {  	s3 =	rddreg [dreg:$0x2];
	[bflag:$0x3] =	sbarrier.arrive $0xFFFF;
	s2 =	simm.s32 @!p0 $0x1C09  }
0x106: {  	[timem:s3], [sflag:s2] =	dma.local @!p0 [hbm:s0], s1  }
0x107: {  	s0 =	simm.s32 @!p0 $0x9  }
0x108: {  	_ =	swait.ge @!p0 [sflag:s0], s1  }
0x109: {  	s1 =	ssub.s32 @!p0 $0x0, s1;
	[sflag:s0] =	ssyncset.done @!p0 $0x0  }
0x10a: {  	[sflag:s0] =	ssyncadd.s32 @!p0 s1  }
0x10b: {  	[bflag:$0x3] =	sbarrier.arrive $0xFFFF  }
0x10c: {  	_ =	shalt  }

// kernel: sparse-core-data-format-call.cloned.1.call-start
scs
called_computation_lowered:
.L_overlay_start_0:
0x0: {  	s2 =	sld [smem:$0x3FD9]  }
0x1: {  	s3 =	sld [smem:$0x3FFE];
	_ =	sdelay $0x1  }
0x2: {  	s1 =	srdreg.scid  }
0x3: {  	s0 =	sand.u32 $0x1, s1  }
0x4: {  	s18 =	sshll.u32 s0, $0xA;
	s2 =	sadd.s32 s3, s2  }
0x5: {  	s2 =	sadd.s32 s2, s18  }
0x6: {  	[smem:$0x3FC6] =	sst s2  }
0x7: {  	_ = 	snop  }
0x8: {  	s2 =	sld [smem:$0x3FD0];
	(tm) =	ssettm $0x1  }
0x9: {  	s19 =	sld [smem:$0x3FFB];
	_ =	sdelay $0x3  }
0xa: {  	_ =	strace s19  }
0xb: {  	s3 =	sld [smem:$0x3FFC];
	_ =	sdelay $0x3  }
0xc: {  	_ =	strace s3  }
0xd: {  	s3 =	sld [smem:$0x3FFD];
	_ =	sdelay $0x3  }
0xe: {  	_ =	strace s3  }
0xf: {  	_ =	strace $0x8FFFFFFF  }
0x10: {  	s20 =	sld [smem:$0x3FDB];
	_ =	sdelay $0x1  }
0x11: {  	s4 =	simm.s32 $_scs_section_size  }
0x12: {  	s5 =	simm.s32 $_size__tile_overlayer_lowered;
	s6 =	simm.s32 $_tile_overlayer_lowered  }
0x13: {  	s23 =	simm.s32 $0x1BFF;
	s22 =	sshll.u32 s6, $0x1;
	s3 =	sadd.s32 s4, s20  }
0x14: {  	s7 =	simm.s32 $0x0;
	s21 =	sshll.u32 s5, $0x1;
	s5 =	sadd.s32 s22, s3  }
0x15: {  	[timem:s7], [sflag:s23] =	dma.local [hbm:s5], s21  }
0x16: {  	_ =	swait.ge [sflag:s23], s21  }
0x17: {  	s4 =	ssub.s32 $0x0, s21;
	[sflag:s23] =	ssyncset.done $0x0  }
0x18: {  	[sflag:s23] =	ssyncadd.s32 s4;
	_ =	sdelay $0x1  }
0x19: {  	s24 =	simm.s32 $0x1B8B  }
0x1a: {  	_ =	swait.ge [sflag:s24], $0x1  }
0x1b: {  	[sflag:s24] =	ssyncset.done $0x0  }
0x1c: {  	s26 =	simm.s32 $0x1B8E;
	s25 =	sld [smem:$0x3FFE];
	[sflag:s24] =	ssyncadd.s32 $0xFFFFFFFF  }
0x1d: {  	s27 =	simm.s32 $execute0_lowered;
	[smem:$0x3FD2] =	sst s26  }
0x1e: {  	s5 =	sshll.u32 s27, $0x1;
	_ =	strace $0x80000049;
	[dreg:$0x1] =	wrdreg $0xFFFFFFFF  }
0x1f: {  	s28 =	simm.s32 $_size_execute0_lowered;
	s3 =	sadd.s32 s3, s5;
	[dreg:$0x0] =	wrdreg $0x0  }
0x20: {  	s5 =	sshll.u32 s28, $0x1;
	[dreg:$0x2] =	wrdreg s3  }
0x21: {  	[dreg:$0x3] =	wrdreg s5  }
0x22: {  	[dreg:$0x4] =	wrdreg $0xC0  }
0x23: {  	_ =	task [dreg:s7], $0x5FFFF  }
0x24: {  	[dreg:$0x1] =	wrdreg $0xFFFFFFFF  }
0x25: {  	[dreg:$0x0] =	wrdreg $0x60  }
0x26: {  	[dreg:$0x2] =	wrdreg s25  }
0x27: {  	[dreg:$0x3] =	wrdreg s2  }
0x28: {  	[dreg:$0x4] =	wrdreg $0x9  }
0x29: {  	_ =	task.clear_ibuf [dreg:s7], $0x5FFFF;
	_ =	strace $0x90000049  }
0x2a: {  	s29 =	simm.s32 $0x9;
	_ =	strace $0x8000004B  }
0x2b: {  	_ =	swait.ge [sflag:s29], $0x1  }
0x2c: {  	[sflag:s29] =	ssyncadd.s32 $0xFFFFFFFF  }
0x2d: {  	_ =	strace $0x9000004B  }
0x2e: {  	_ =	sfence  }
0x2f: {  	s30 =	sld [smem:$0x0];
	_ =	sdelay $0x2  }
0x30: {  	s31 =	sshll.u32 s1, $0xD;
	s1 =	sshrl.u32 s1, $0x2  }
0x31: {  	s3 =	sand.u32 $0x4000, s31;
	s1 =	sadd.s32 s1, s30  }
0x32: {  	s0 =	sor.u32 s3, s0;
	s1 =	sshll.u32 s1, $0x11  }
0x33: {  	s0 =	sor.u32 s1, s0  }
0x34: {  	s0 =	sadd.s32 $0x8F2B, s0  }
0x35: {  	[sflag:s0] =	ssyncadd.remote.s32 $0x1  }
0x36: {  	_ =	sfence.sel $0xFFFF  }
0x37: {  	[dreg:$0x0] =	wrdreg $0xFFFFFFFF;
	(pc) =	sbr.abs _section_cstart, $3  }
0x38: {  	[dreg:$0x1] =	wrdreg $0xFFFFFFFF  }
0x39: {  	_ =	task.clear_ibuf [dreg:s7], $0x2FFFF;
	_ =	strace $0x9FFFFFFF  }
0x3a: {  	(tm) =	ssettm $0x7FFFFFFF  }
0x3b: {  	_ =	shalt  }
tec
execute0_lowered:
.L_overlay_start_1:
0x0: {  	(tag) =	ssettag $0x1  }
0x1: {  	s0 =	srdreg.scid  }
0x2: {  	s1 =	sshll.u32 s0, $0x4  }
0x3: {  	s0 =	stileid.u32;
	s1 =	sand.u32 $0x10, s1  }
0x4: {  	s1 =	sor.u32 s0, s1  }
0x5: {  	s6 =	rddreg [dreg:$0x0];
	s4 =	simm.s32 $0x1;
	s2 =	sshll.u32 s1, $0x7  }
0x6: {  	s7 =	simm.s32 $0x2;
	s12 =	simm.s32 $0x0;
	s1 =	ssub.s32 $0x1000, s2  }
0x7: {  	s8 =	simm.s32 $0x8000;
	s13 =	simm.s32 $0x0;
	s3 =	sand.u32 $0xF80, s1  }
0x8: {  	s9 =	simm.s32 $0x0;
	s5 =	sshrl.u32 s1, $0xC;
	p0 =	sne.s32 s3, $0x0  }
.Ltmp0:
0x9: {  	s1 =	rddreg [dreg:$0x2];
	s4 =	simm.s32 @!p0 $0x0;
	(pc) =	sbr.rel .LBB1_1-.Ltmp0, $4  }
0xa: {  	s11 =	simm.s32 $0x0;
	s3 =	rddreg [dreg:$0x1];
	s5 =	sadd.s32 s4, s5  }
0xb: {  	_ =	strace $0x8000004A;
	s4 =	simm.s32 $0x1;
	s5 =	smul.u32 $0xC8, s5  }
0xc: {  	s6 =	sadd.s32 $0xA00, s6;
	s10 =	smov.u32 s2;
	[sflag:s4] =	ssyncpa.u1 $0x0  }
0xd: {  	p0 =	por $0x0, $0x0;
	[sflag:s7] =	ssyncpa.u1 $0x0;
	s7 =	sor.u32 $0x1, s5  }
.LBB1_4:
0xe: {  	s16 =	sshll.u32 s13, $0x3;
	s17 =	sand.u32 $0x78, s13  }
0xf: {  	s30 =	sand.u32 $0x7E00, s13;
	s12 =	sshll.u32 s12, $0xF;
	s16 =	sand.u32 $0xC00, s16  }
0x10: {  	[tilespmem:s15+$0x810 ss:$0x81] =	vst.msk $0xffff, v2;
	s31 =	sand.u32 $0x7, s13;
	s16 =	sor.u32 s17, s16;
	s17 =	sadd.s32 s3, s30  }
0x11: {  	[tilespmem:s15+$0x1020 ss:$0x81] =	vst.msk $0xffff, v0;
	s13 =	sshll.u32 s31, $0x12;
	s12 =	sadd.s32 s12, s17;
	s16 =	sshrl.u32 s16, $0x3  }
0x12: {  	[tilespmem:s15+$0x0 ss:$0x81] =	vst.msk $0xffff, v1;
	s13 =	sor.u32 $0x400, s13;
	s12 =	sadd.s32 s16, s12  }
0x13: {  	[hbm4b:s12+s13] =	stream.strided.scatter [tilespmem:s14], [sflag:$0x2], $0x2000, s8, s13, $0x20;
	[tilespmem:$0x8080] =	vst v63  }
.LBB1_5:
0x14: {  	s14 =	sadd.s32 $0x1, s9  }
0x15: {  	s12 =	sadd.s32 $0x1000, s10;
	s16 =	smov.u32 s10;
	p2 =	sgt.s32 s14, $0xC7  }
0x16: {  	s16 =	smov.u32 @p2 s12  }
0x17: {  	s14 =	simm.s32 @p2 $0x0;
	p2 =	sgt.s32 s16, $0xFFF  }
0x18: {  	s16 =	smov.u32 @p2 s2;
	p2 =	sne.s32 s11, s7  }
.Ltmp1:
0x19: {  	p1 =	slt.u32 s11, $0x2;
	(pc) =	sbr.rel @!p2 .LBB1_6-.Ltmp1, $4  }
0x1a: {  	s15 =	simm.s32 @!p1 $0x2  }
0x1b: {  	s13 =	smov.u32 s10;
	p0 =	por !p0, !p0;
	_ =	swait.ge @!p1 [sflag:s15], $0x2000  }
0x1c: {  	s12 =	smov.u32 s9;
	[sflag:s15] =	ssyncset.done @!p1 $0x0;
	s9 =	smov.u32 s14  }
0x1d: {  	s11 =	sadd.s32 $0x1, s11;
	[sflag:s15] =	ssyncadd.s32 @!p1 $0xFFFFE000;
	s10 =	smov.u32 s16  }
.LBB1_1:
0x1e: {  	p1 =	sge.u32 s11, s5  }
0x1f: {  	s14 =	sand.u32 @!p1 $0x1FFFFFF, s9  }
0x20: {  	s15 =	smulhi.u32 @!p1 $0x147AE15, s14;
	_ =	sdelay $0x1  }
0x21: {  	s15 =	smul.u32 @!p1 $0xC8, s15  }
0x22: {  	s16 =	sxor.u32 @!p1 $0xFFFFFFFF, s11;
	s17 =	smul.u32 @!p1 $0xC80, s10  }
0x23: {  	s31 =	sadd.s32 $0xFFFFFFFF, s11;
	s16 =	sshll.u32 @!p1 s16, $0xD;
	s14 =	ssub.s32 @!p1 s14, s15  }
0x24: {  	s15 =	sand.u32 @!p1 $0x2000, s16;
	s16 =	sadd.s32 @!p1 s6, s17;
	s14 =	sshll.u32 @!p1 s14, $0x4  }
0x25: {  	s17 =	simm.s32 @!p1 $0x6400;
	s14 =	sadd.s32 @!p1 s14, s16;
	s16 =	simm.s32 @!p1 $0x40  }
0x26: {  	[tilespmem:s15], [sflag:$0x1] =	stream.strided.gather @!p1 [hbm4b:s14+s16], $0x2000, s17, s16, $0x38;
	[tilespmem:$0x8080] =	vst v63  }
0x27: {  	p1 =	sge.u32 s31, s5  }
.Ltmp2:
0x28: {  	_ = 	snop;
	(pc) =	sbr.rel @p1 .LBB1_5-.Ltmp2, $1  }
0x29: {  	_ =	sdelay $0x3  }
0x2a: {  	s14 =	simm.s32 $0x1  }
0x2b: {  	_ =	swait.ge [sflag:s4], $0x2000;
	s14 =	simm.s32 @!p0 $0x0  }
0x2c: {  	[sflag:s4] =	ssyncset.done $0x0;
	s15 =	sshll.u32 s14, $0xD  }
0x2d: {  	[sflag:s4] =	ssyncadd.s32 $0xFFFFE000;
	s18 =	sor.u32 $0x20, s15  }
0x2e: {  	s14 =	smul.u32 $0x8100, s14;
	v3 =	vld [tilespmem:s18+$0x10]  }
0x2f: {  	s30 =	sand.u32 $0x1, s11;
	v2 =	vld [tilespmem:s18+$0xFFFFFFF0]  }
0x30: {  	s15 =	smul.u32 $0x8100, s30;
	s14 =	sshrl.u32 s14, $0x2;
	v0 =	vld [tilespmem:s18+$0x0]  }
0x31: {  	v1 =	vld [tilespmem:s18+$0xFFFFFFE0];
	s16 =	sor.u32 $0x4000, s14  }
0x32: {  	s31 =	sshrl.u32 s15, $0x2;
	s15 =	sadd.s32 $0x0, s16  }
0x33: {  	s17 =	simm.s32 $0x4;
	s18 =	sadd.s32 $0x40, s18;
	s14 =	sor.u32 $0x4000, s31;
	[tilespmem:s15+$0x1830 ss:$0x81] =	vst.msk $0xffff, v3  }
.LBB1_3:
0x34: {  	v3 =	vld [tilespmem:s18+$0x10];
	p1 =	sne.s32 s17, $0x1FC;
	[tilespmem:s15+$0x810 ss:$0x81] =	vst.msk $0xffff, v2;
	s19 =	smov.u32 s17;
	s17 =	sadd.s32 $0x4, s17  }
.Ltmp3:
0x35: {  	v2 =	vld [tilespmem:s18+$0xFFFFFFF0];
	[tilespmem:s15+$0x1020 ss:$0x81] =	vst.msk $0xffff, v0;
	(pc) =	sbr.rel @p1 .LBB1_3-.Ltmp3, $4  }
0x36: {  	v0 =	vld [tilespmem:s18+$0x0];
	[tilespmem:s15+$0x0 ss:$0x81] =	vst.msk $0xffff, v1  }
0x37: {  	s15 =	sshra.s32 s19, $0x2;
	v1 =	vld [tilespmem:s18+$0xFFFFFFE0]  }
0x38: {  	s15 =	sadd.s32 s15, s16  }
0x39: {  	s18 =	sadd.s32 $0x40, s18;
	[tilespmem:s15+$0x1830 ss:$0x81] =	vst.msk $0xffff, v3  }
.Ltmp4:
0x3a: {  	_ = 	snop;
	(pc) =	sbr.rel .LBB1_4-.Ltmp4, $1  }
0x3b: {  	_ =	sdelay $0x3  }
.LBB1_6:
0x3c: {  	_ =	sfence.sel $0x180000  }
0x3d: {  	s2 =	simm.s32 $0x1;
	[bflag:$0x0] =	sbarrier.arrive $0xFFFF  }
0x3e: {  	s31 =	simm.s32 $0x2;
	[sflag:s2] =	ssyncpa.u1 $0x1  }
0x3f: {  	[sflag:s31] =	ssyncpa.u1 $0x1  }
0x40: {  	p0 =	sne.s32 s0, $0x0;
	_ =	strace $0x9000004A  }
0x41: {  	s0 =	sadd.s32 @!p0 $0x100000, s1;
	[bflag:$0x2] =	sbarrier.arrive $0xFFFF  }
0x42: {  	[sflag:s0] =	ssyncadd.tile.s32 @!p0 $0x1;
	_ =	shalt  }
.Lfunc_end1:
_tile_overlayer_lowered:
.L_overlay_start_2:
0x43: {  	(tag) =	ssettag $0x2  }
0x44: {  	s0 =	rddreg [dreg:$0x0];
	s2 =	stileid.u32  }
0x45: {  	s1 =	rddreg [dreg:$0x1];
	p0 =	sne.s32 s2, $0x0  }
0x46: {  	s3 =	rddreg [dreg:$0x2];
	[bflag:$0x3] =	sbarrier.arrive $0xFFFF;
	s2 =	simm.s32 @!p0 $0x1C01  }
0x47: {  	[timem:s3], [sflag:s2] =	dma.local @!p0 [hbm:s0], s1  }
0x48: {  	s0 =	simm.s32 @!p0 $0x1  }
0x49: {  	_ =	swait.ge @!p0 [sflag:s0], s1  }
0x4a: {  	s1 =	ssub.s32 @!p0 $0x0, s1;
	[sflag:s0] =	ssyncset.done @!p0 $0x0  }
0x4b: {  	[sflag:s0] =	ssyncadd.s32 @!p0 s1  }
0x4c: {  	[bflag:$0x3] =	sbarrier.arrive $0xFFFF  }
0x4d: {  	_ =	shalt  }

</sc_bundles>
